<compile_context>
chip_gen: v7x
topology: tpu7x:2x2x1
jax: 0.10.2.dev20260603
libtpu: 0.0.44.dev20260713+nightly
codegen_flags: <defaults>
</compile_context>

<pallas_src>
import jax
import jax.numpy as jnp
from jax import lax
from jax.experimental import pallas as pl
from jax.experimental.pallas import tpu as pltpu
from jax.experimental.pallas import tpu_sc as plsc

_N = 20000
_G = 100
_C = 80
_P = 512
_LANES = 16
_CHUNK = 2000
_FIFTH_ROOT_MAGIC = 851980270



_KSTEPS = _N // _CHUNK


def _tc_gather_body(pos_ref, cls_ref, sig_ref, acc_ref):
    k = pl.program_id(0)
    ids = jax.lax.broadcasted_iota(jnp.int32, (_P, _CHUNK), 1) + k * _CHUNK
    onehot = jnp.where(pos_ref[...] == ids, 1.0, 0.0).astype(jnp.bfloat16)
    part = jax.lax.dot_general(
        onehot, cls_ref[...].astype(jnp.bfloat16),
        dimension_numbers=(((1,), (0,)), ((), ())),
        preferred_element_type=jnp.float32)

    @pl.when(k == 0)
    def _init():
        acc_ref[...] = part

    @pl.when(k > 0)
    def _acc():
        acc_ref[...] += part

    @pl.when(k == _KSTEPS - 1)
    def _fin():
        sig_ref[...] = 1.0 / (1.0 + jnp.exp(-acc_ref[...]))


def _tc_gather(pos_2d, cls_scores):
    return pl.pallas_call(
        _tc_gather_body,
        grid=(_KSTEPS,),
        in_specs=[
            pl.BlockSpec((_P, 1), lambda k: (0, 0)),
            pl.BlockSpec((_CHUNK, _C), lambda k: (k, 0)),
        ],
        out_specs=pl.BlockSpec((_P, _C), lambda k: (0, 0)),
        out_shape=jax.ShapeDtypeStruct((_P, _C), jnp.float32),
        scratch_shapes=[pltpu.VMEM((_P, _C), jnp.float32)],
    )(pos_2d, cls_scores)



def _sc_body(pos_hbm, ptf_hbm, sig_hbm, gtbf_hbm, gtl_hbm, out_hbm,
             idx_v, coord_v, csc_v, gtb_v, gtl_v, qbuf, sem_a, sem_b):
    c = lax.axis_index("c")
    s = lax.axis_index("s")
    wid = s * 2 + c

    pltpu.sync_copy(pos_hbm.at[pl.ds(wid * _LANES, _LANES)], idx_v)
    idx = idx_v[...]

    coord_copies = [
        pltpu.async_copy(ptf_hbm.at[idx + cc * _N], coord_v.at[cc], sem_a)
        for cc in range(4)
    ]
    cls_copy = pltpu.async_copy(sig_hbm.at[pl.ds(wid * _LANES, _LANES)],
                                csc_v, sem_b)

    pltpu.sync_copy(gtbf_hbm, gtb_v)
    pltpu.sync_copy(gtl_hbm, gtl_v)
    for cp in coord_copies:
        cp.wait()
    cls_copy.wait()

    lane = lax.iota(jnp.int32, _LANES)
    px1 = coord_v[0]
    py1 = coord_v[1]
    px2 = coord_v[2]
    py2 = coord_v[3]
    area1 = (px2 - px1) * (py2 - py1)

    def _gt_step(g, m):
        g4 = jnp.full((_LANES,), g * 4, jnp.int32)
        gx1 = plsc.load_gather(gtb_v, [g4])
        gy1 = plsc.load_gather(gtb_v, [g4 + 1])
        gx2 = plsc.load_gather(gtb_v, [g4 + 2])
        gy2 = plsc.load_gather(gtb_v, [g4 + 3])
        w = jnp.maximum(jnp.minimum(px2, gx2) - jnp.maximum(px1, gx1), 0.0)
        h = jnp.maximum(jnp.minimum(py2, gy2) - jnp.maximum(py1, gy1), 0.0)
        inter = w * h
        area2 = (gx2 - gx1) * (gy2 - gy1)
        union = jnp.maximum(area1 + area2 - inter, 1e-6)
        iou = inter / union
        lab = plsc.load_gather(gtl_v, [jnp.full((_LANES,), g, jnp.int32)])
        cls = plsc.load_gather(csc_v, [lane, lab])
        iou2 = iou * iou
        return jnp.maximum(m, iou2 * iou2 * cls)

    m = lax.fori_loop(0, _G, _gt_step, jnp.zeros((_LANES,), jnp.float32),
                      unroll=4)

    bits = plsc.bitcast(m, jnp.int32)
    seed_bits = (bits.astype(jnp.float32) * 0.2).astype(jnp.int32)
    y = plsc.bitcast(seed_bits + _FIFTH_ROOT_MAGIC, jnp.float32)
    for _ in range(3):
        y2 = y * y
        y4 = y2 * y2
        y = 0.8 * y + 0.2 * m / y4
    qbuf[...] = jnp.where(m > 0.0, y, 0.0)
    pltpu.async_copy(qbuf, out_hbm.at[idx_v], sem_a).wait()


@jax.jit
def _run(pos_i32, ptflat, cls_scores, gtbf, gtl_i32):
    sig512 = _tc_gather(pos_i32.reshape(_P, 1), cls_scores)

    mesh = plsc.VectorSubcoreMesh(core_axis_name="c", subcore_axis_name="s")
    f = pl.kernel(
        _sc_body,
        out_type=(),
        mesh=mesh,
        compiler_params=pltpu.CompilerParams(
            needs_layout_passes=False, use_tc_tiling_on_sc=False),
        scratch_types=[
            pltpu.VMEM((_LANES,), jnp.int32),
            pltpu.VMEM((4, _LANES), jnp.float32),
            pltpu.VMEM((_LANES, _C), jnp.float32),
            pltpu.VMEM((4 * _G,), jnp.float32),
            pltpu.VMEM((_G,), jnp.int32),
            pltpu.VMEM((_LANES,), jnp.float32),
            pltpu.SemaphoreType.DMA,
            pltpu.SemaphoreType.DMA,
        ],
    )
    out_ref = jax.new_ref(jnp.zeros((_N,), jnp.float32))
    f(pos_i32, ptflat, sig512, gtbf, gtl_i32, out_ref)
    return out_ref[...]


def kernel(bboxes, cls_scores, bbox_preds, gt_bboxes, bbox_levels, positive_inds, gt_labels):
    del bboxes, bbox_levels
    pos_i32 = positive_inds.astype(jnp.int32)
    gtl_i32 = gt_labels.astype(jnp.int32)
    gtbf = gt_bboxes[:, :4].reshape(-1)
    ptflat = bbox_preds.T.reshape(-1)
    return _run(pos_i32, ptflat, cls_scores, gtbf, gtl_i32)

# --- scband reference (transcript-rebuilt; emitter-appended) ---
"""Pipeline reference for scband-pgwanchor-module-11811160064320 (READ-ONLY COPY).

The authoritative reference and input builder live on the scoring server;
editing this copy changes nothing except your own understanding.
"""

import jax, jax.numpy as jnp
import numpy as np

ALPHA = 0.8
LOW_BOUND = 0.0


def _make_boxes(key, n):
    k1, k2, k3, k4 = jax.random.split(key, 4)
    x1 = jax.random.uniform(k1, (n,), dtype=jnp.float32) * 1000.0
    y1 = jax.random.uniform(k2, (n,), dtype=jnp.float32) * 1000.0
    w = jax.random.uniform(k3, (n,), dtype=jnp.float32) * 100.0 + 1.0
    h = jax.random.uniform(k4, (n,), dtype=jnp.float32) * 100.0 + 1.0
    return jnp.stack([x1, y1, x1 + w, y1 + h], axis=1)


def setup_inputs(seed: int = 0) -> dict:
    key = jax.random.key(seed)
    ks = jax.random.split(key, 8)
    N, G, C = 20000, 100, 80
    bboxes = _make_boxes(ks[0], N)
    cls_scores = jax.random.normal(ks[1], (N, C), dtype=jnp.float32)
    bbox_preds = _make_boxes(ks[2], N)
    gt_bboxes = _make_boxes(ks[3], G)
    bbox_levels = jax.random.randint(ks[4], (N,), 0, 5, dtype=jnp.int64)
    positive_inds = jax.random.randint(ks[5], (512,), 0, N, dtype=jnp.int64)
    gt_labels = jax.random.randint(ks[6], (G,), 0, C, dtype=jnp.int64)
    return {
        "bboxes": bboxes,
        "cls_scores": cls_scores,
        "bbox_preds": bbox_preds,
        "gt_bboxes": gt_bboxes,
        "bbox_levels": bbox_levels,
        "positive_inds": positive_inds,
        "gt_labels": gt_labels,
    }


def _bbox_overlaps_iou(b1, b2):
    # pairwise IoU (BboxOverlaps2D, mode='iou'): b1 [N,4], b2 [G,4] -> [N,G]
    area1 = (b1[:, 2] - b1[:, 0]) * (b1[:, 3] - b1[:, 1])
    area2 = (b2[:, 2] - b2[:, 0]) * (b2[:, 3] - b2[:, 1])
    lt = jnp.maximum(b1[:, None, :2], b2[None, :, :2])
    rb = jnp.minimum(b1[:, None, 2:4], b2[None, :, 2:4])
    wh = jnp.clip(rb - lt, 0.0)
    inter = wh[..., 0] * wh[..., 1]
    union = area1[:, None] + area2[None, :] - inter
    return inter / jnp.maximum(union, 1e-6)


def _safe_pow(x, p):
    # x ** p with zero-safe gradient at x == 0 (value identical to x**p for x >= 0)
    safe = jnp.where(x > 0, x, 1.0)
    return jnp.where(x > 0, safe ** p, 0.0)


def reference(bboxes, cls_scores, bbox_preds, gt_bboxes, bbox_levels, positive_inds, gt_labels):
    bboxes = bboxes[:, :4]
    num_bboxes = bboxes.shape[0]
    # overlaps between predicted boxes and GT boxes
    overlaps = _bbox_overlaps_iou(bbox_preds, gt_bboxes)  # [N, G]
    # classification cost: sigmoid score at each GT's label, gathered per anchor
    cls_cost = jax.nn.sigmoid(cls_scores[:, gt_labels])  # [N, G]
    overlaps = _safe_pow(cls_cost, 1.0 - ALPHA) * _safe_pow(overlaps, ALPHA)
    quality_score = jnp.max(overlaps, axis=1)  # [N]
    pos = jnp.zeros((num_bboxes,), dtype=quality_score.dtype).at[positive_inds].set(1.0)
    # ignore_iof_thr = -1 -> ignore branch skipped; assigned_gt_inds stays 0
    quality_score = quality_score * pos
    quality_score = jnp.where(quality_score < LOW_BOUND, 0.0, quality_score)
    return quality_score

if __name__ == "__main__":
    import jax
    _d = setup_inputs()
    print(jax.jit(kernel)(*tuple(_d.values())))

</pallas_src>

<mosaic_0001>
#map = affine_map<(d0, d1) -> (0)>
#map1 = affine_map<(d0, d1) -> (0, 0)>
module attributes {stable_mosaic.version = 14 : i64} {
  func.func @new_body(%arg0: i32, %arg1: i32, %arg2: memref<512xi32, #tpu.memory_space<hbm>>, %arg3: memref<80000xf32, #tpu.memory_space<hbm>>, %arg4: memref<512x80xf32, #tpu.memory_space<hbm>>, %arg5: memref<400xf32, #tpu.memory_space<hbm>>, %arg6: memref<100xi32, #tpu.memory_space<hbm>>, %arg7: memref<20000xf32, #tpu.memory_space<hbm>>, %arg8: memref<20000xf32, #tpu.memory_space<hbm>>, %arg9: memref<16xi32, #tpu.memory_space<vmem>>, %arg10: memref<4x16xf32, #tpu.memory_space<vmem>>, %arg11: memref<16x80xf32, #tpu.memory_space<vmem>>, %arg12: memref<400xf32, #tpu.memory_space<vmem>>, %arg13: memref<100xi32, #tpu.memory_space<vmem>>, %arg14: memref<16xf32, #tpu.memory_space<vmem>>, %arg15: memref<!tpu.dma_semaphore, #tpu.memory_space<semaphore_mem>>, %arg16: memref<!tpu.dma_semaphore, #tpu.memory_space<semaphore_mem>>) attributes {dimension_semantics = [#tpu.dimension_semantics<core_parallel>, #tpu.dimension_semantics<subcore_parallel>], iteration_bounds = array<i64: 2, 16>, scalar_prefetch = 0 : i64, scratch_operands = 8 : i64, tpu.core_type = #tpu.core_type<sc_vector_subcore>, window_params = [{transform_indices = #map}, {transform_indices = #map}, {transform_indices = #map1}, {transform_indices = #map}, {transform_indices = #map}, {transform_indices = #map}, {transform_indices = #map}]} {
    %mul3A = arith.constant 2 : i32
    %mul3A_0 = arith.muli %arg1, %mul3A : i32
    %add3A = arith.addi %mul3A_0, %arg0 : i32
    %mul3A_1 = arith.constant 16 : i32
    %mul3A_2 = arith.muli %add3A, %mul3A_1 : i32
    "tpu.region"() ({
      %run_scoped3A = tpu.sem_alloc : memref<!tpu.dma_semaphore, #tpu.memory_space<semaphore_mem>>
      %dma_start3A_141 = tpu.memref_slice %arg2[%mul3A_2] : memref<512xi32, #tpu.memory_space<hbm>> -> memref<16xi32, #tpu.memory_space<hbm>>
      %dma_start3A_142 = tpu.memref_slice %arg2[%mul3A_2] : memref<512xi32, #tpu.memory_space<hbm>> -> memref<16xi32, #tpu.memory_space<hbm>>
      tpu.enqueue_dma source(%dma_start3A_142 : memref<16xi32, #tpu.memory_space<hbm>>) target(%arg9 : memref<16xi32, #tpu.memory_space<vmem>>) target_semaphore(%run_scoped3A : memref<!tpu.dma_semaphore, #tpu.memory_space<semaphore_mem>>)
      %dma_wait3A_143 = tpu.memref_slice %arg2[%mul3A_2] : memref<512xi32, #tpu.memory_space<hbm>> -> memref<16xi32, #tpu.memory_space<hbm>>
      %dma_wait3A_144 = tpu.memref_slice %arg2[%mul3A_2] : memref<512xi32, #tpu.memory_space<hbm>> -> memref<16xi32, #tpu.memory_space<hbm>>
      tpu.wait_dma2 semaphore(%run_scoped3A : memref<!tpu.dma_semaphore, #tpu.memory_space<semaphore_mem>>) src(%dma_wait3A_144 : memref<16xi32, #tpu.memory_space<hbm>>) dst(%arg9 : memref<16xi32, #tpu.memory_space<vmem>>)
      tpu.yield
    }) : () -> ()
    %get3A = arith.constant 0 : index
    %get3A_3 = tpu.vector_load %arg9[%get3A] {strides = array<i32>} : memref<16xi32, #tpu.memory_space<vmem>>, vector<16xi32>,
    %add3A_4 = arith.constant 0 : i32
    %add3A_5 = vector.broadcast %add3A_4 : i32 to vector<16xi32>
    %add3A_6 = arith.addi %get3A_3, %add3A_5 : vector<16xi32>
    %dma_start3A = arith.constant 0 : i32
    %dma_start3A_7 = arith.constant 0 : i32
    %dma_start3A_8 = tpu.memref_slice %arg10[%dma_start3A, %dma_start3A_7] : memref<4x16xf32, #tpu.memory_space<vmem>> -> memref<1x16xf32, #tpu.memory_space<vmem>>
    %dma_start3A_9 = tpu.memref_squeeze %dma_start3A_8 : memref<1x16xf32, #tpu.memory_space<vmem>> -> memref<16xf32, #tpu.memory_space<vmem>>
    %dma_start3A_10 = arith.constant 0 : i32
    %dma_start3A_11 = tpu.memref_slice %arg3[%dma_start3A_10] : memref<80000xf32, #tpu.memory_space<hbm>> -> memref<80000xf32, #tpu.memory_space<hbm>>
    tpu.enqueue_indirect_dma source(%dma_start3A_11 : memref<80000xf32, #tpu.memory_space<hbm>>) target(%dma_start3A_9 : memref<16xf32, #tpu.memory_space<vmem>>) offsets(%add3A_6 : vector<16xi32>) semaphore(%arg15 : memref<!tpu.dma_semaphore, #tpu.memory_space<semaphore_mem>>)
    %add3A_12 = arith.constant 20000 : i32
    %add3A_13 = vector.broadcast %add3A_12 : i32 to vector<16xi32>
    %add3A_14 = arith.addi %get3A_3, %add3A_13 : vector<16xi32>
    %dma_start3A_15 = arith.constant 1 : i32
    %dma_start3A_16 = arith.constant 0 : i32
    %dma_start3A_17 = tpu.memref_slice %arg10[%dma_start3A_15, %dma_start3A_16] : memref<4x16xf32, #tpu.memory_space<vmem>> -> memref<1x16xf32, #tpu.memory_space<vmem>>
    %dma_start3A_18 = tpu.memref_squeeze %dma_start3A_17 : memref<1x16xf32, #tpu.memory_space<vmem>> -> memref<16xf32, #tpu.memory_space<vmem>>
    %dma_start3A_19 = arith.constant 0 : i32
    %dma_start3A_20 = tpu.memref_slice %arg3[%dma_start3A_19] : memref<80000xf32, #tpu.memory_space<hbm>> -> memref<80000xf32, #tpu.memory_space<hbm>>
    tpu.enqueue_indirect_dma source(%dma_start3A_20 : memref<80000xf32, #tpu.memory_space<hbm>>) target(%dma_start3A_18 : memref<16xf32, #tpu.memory_space<vmem>>) offsets(%add3A_14 : vector<16xi32>) semaphore(%arg15 : memref<!tpu.dma_semaphore, #tpu.memory_space<semaphore_mem>>)
    %add3A_21 = arith.constant 40000 : i32
    %add3A_22 = vector.broadcast %add3A_21 : i32 to vector<16xi32>
    %add3A_23 = arith.addi %get3A_3, %add3A_22 : vector<16xi32>
    %dma_start3A_24 = arith.constant 2 : i32
    %dma_start3A_25 = arith.constant 0 : i32
    %dma_start3A_26 = tpu.memref_slice %arg10[%dma_start3A_24, %dma_start3A_25] : memref<4x16xf32, #tpu.memory_space<vmem>> -> memref<1x16xf32, #tpu.memory_space<vmem>>
    %dma_start3A_27 = tpu.memref_squeeze %dma_start3A_26 : memref<1x16xf32, #tpu.memory_space<vmem>> -> memref<16xf32, #tpu.memory_space<vmem>>
    %dma_start3A_28 = arith.constant 0 : i32
    %dma_start3A_29 = tpu.memref_slice %arg3[%dma_start3A_28] : memref<80000xf32, #tpu.memory_space<hbm>> -> memref<80000xf32, #tpu.memory_space<hbm>>
    tpu.enqueue_indirect_dma source(%dma_start3A_29 : memref<80000xf32, #tpu.memory_space<hbm>>) target(%dma_start3A_27 : memref<16xf32, #tpu.memory_space<vmem>>) offsets(%add3A_23 : vector<16xi32>) semaphore(%arg15 : memref<!tpu.dma_semaphore, #tpu.memory_space<semaphore_mem>>)
    %add3A_30 = arith.constant 60000 : i32
    %add3A_31 = vector.broadcast %add3A_30 : i32 to vector<16xi32>
    %add3A_32 = arith.addi %get3A_3, %add3A_31 : vector<16xi32>
    %dma_start3A_33 = arith.constant 3 : i32
    %dma_start3A_34 = arith.constant 0 : i32
    %dma_start3A_35 = tpu.memref_slice %arg10[%dma_start3A_33, %dma_start3A_34] : memref<4x16xf32, #tpu.memory_space<vmem>> -> memref<1x16xf32, #tpu.memory_space<vmem>>
    %dma_start3A_36 = tpu.memref_squeeze %dma_start3A_35 : memref<1x16xf32, #tpu.memory_space<vmem>> -> memref<16xf32, #tpu.memory_space<vmem>>
    %dma_start3A_37 = arith.constant 0 : i32
    %dma_start3A_38 = tpu.memref_slice %arg3[%dma_start3A_37] : memref<80000xf32, #tpu.memory_space<hbm>> -> memref<80000xf32, #tpu.memory_space<hbm>>
    tpu.enqueue_indirect_dma source(%dma_start3A_38 : memref<80000xf32, #tpu.memory_space<hbm>>) target(%dma_start3A_36 : memref<16xf32, #tpu.memory_space<vmem>>) offsets(%add3A_32 : vector<16xi32>) semaphore(%arg15 : memref<!tpu.dma_semaphore, #tpu.memory_space<semaphore_mem>>)
    %mul3A_39 = arith.constant 16 : i32
    %mul3A_40 = arith.muli %add3A, %mul3A_39 : i32
    %dma_start3A_41 = arith.constant 0 : i32
    %dma_start3A_42 = tpu.memref_slice %arg4[%mul3A_40, %dma_start3A_41] : memref<512x80xf32, #tpu.memory_space<hbm>> -> memref<16x80xf32, #tpu.memory_space<hbm>>
    %dma_start3A_43 = arith.constant 0 : i32
    %dma_start3A_44 = tpu.memref_slice %arg4[%mul3A_40, %dma_start3A_43] : memref<512x80xf32, #tpu.memory_space<hbm>> -> memref<16x80xf32, #tpu.memory_space<hbm>>
    tpu.enqueue_dma source(%dma_start3A_44 : memref<16x80xf32, #tpu.memory_space<hbm>>) target(%arg11 : memref<16x80xf32, #tpu.memory_space<vmem>>) target_semaphore(%arg16 : memref<!tpu.dma_semaphore, #tpu.memory_space<semaphore_mem>>)
    "tpu.region"() ({
      %run_scoped3A = tpu.sem_alloc : memref<!tpu.dma_semaphore, #tpu.memory_space<semaphore_mem>>
      tpu.enqueue_dma source(%arg5 : memref<400xf32, #tpu.memory_space<hbm>>) target(%arg12 : memref<400xf32, #tpu.memory_space<vmem>>) target_semaphore(%run_scoped3A : memref<!tpu.dma_semaphore, #tpu.memory_space<semaphore_mem>>)
      tpu.wait_dma2 semaphore(%run_scoped3A : memref<!tpu.dma_semaphore, #tpu.memory_space<semaphore_mem>>) src(%arg5 : memref<400xf32, #tpu.memory_space<hbm>>) dst(%arg12 : memref<400xf32, #tpu.memory_space<vmem>>)
      tpu.yield
    }) : () -> ()
    "tpu.region"() ({
      %run_scoped3A = tpu.sem_alloc : memref<!tpu.dma_semaphore, #tpu.memory_space<semaphore_mem>>
      tpu.enqueue_dma source(%arg6 : memref<100xi32, #tpu.memory_space<hbm>>) target(%arg13 : memref<100xi32, #tpu.memory_space<vmem>>) target_semaphore(%run_scoped3A : memref<!tpu.dma_semaphore, #tpu.memory_space<semaphore_mem>>)
      tpu.wait_dma2 semaphore(%run_scoped3A : memref<!tpu.dma_semaphore, #tpu.memory_space<semaphore_mem>>) src(%arg6 : memref<100xi32, #tpu.memory_space<hbm>>) dst(%arg13 : memref<100xi32, #tpu.memory_space<vmem>>)
      tpu.yield
    }) : () -> ()
    %dma_wait3A = arith.constant 0 : i32
    %dma_wait3A_45 = arith.constant 0 : i32
    %dma_wait3A_46 = tpu.memref_slice %arg10[%dma_wait3A, %dma_wait3A_45] : memref<4x16xf32, #tpu.memory_space<vmem>> -> memref<1x16xf32, #tpu.memory_space<vmem>>
    %dma_wait3A_47 = tpu.memref_squeeze %dma_wait3A_46 : memref<1x16xf32, #tpu.memory_space<vmem>> -> memref<16xf32, #tpu.memory_space<vmem>>
    %dma_wait3A_48 = arith.constant 0 : i32
    %dma_wait3A_49 = tpu.memref_slice %arg3[%dma_wait3A_48] : memref<80000xf32, #tpu.memory_space<hbm>> -> memref<80000xf32, #tpu.memory_space<hbm>>
    tpu.wait_indirect_dma semaphore(%arg15 : memref<!tpu.dma_semaphore, #tpu.memory_space<semaphore_mem>>) src(%dma_wait3A_49 : memref<80000xf32, #tpu.memory_space<hbm>>) dst(%dma_wait3A_47 : memref<16xf32, #tpu.memory_space<vmem>>)
    %dma_wait3A_50 = arith.constant 1 : i32
    %dma_wait3A_51 = arith.constant 0 : i32
    %dma_wait3A_52 = tpu.memref_slice %arg10[%dma_wait3A_50, %dma_wait3A_51] : memref<4x16xf32, #tpu.memory_space<vmem>> -> memref<1x16xf32, #tpu.memory_space<vmem>>
    %dma_wait3A_53 = tpu.memref_squeeze %dma_wait3A_52 : memref<1x16xf32, #tpu.memory_space<vmem>> -> memref<16xf32, #tpu.memory_space<vmem>>
    %dma_wait3A_54 = arith.constant 0 : i32
    %dma_wait3A_55 = tpu.memref_slice %arg3[%dma_wait3A_54] : memref<80000xf32, #tpu.memory_space<hbm>> -> memref<80000xf32, #tpu.memory_space<hbm>>
    tpu.wait_indirect_dma semaphore(%arg15 : memref<!tpu.dma_semaphore, #tpu.memory_space<semaphore_mem>>) src(%dma_wait3A_55 : memref<80000xf32, #tpu.memory_space<hbm>>) dst(%dma_wait3A_53 : memref<16xf32, #tpu.memory_space<vmem>>)
    %dma_wait3A_56 = arith.constant 2 : i32
    %dma_wait3A_57 = arith.constant 0 : i32
    %dma_wait3A_58 = tpu.memref_slice %arg10[%dma_wait3A_56, %dma_wait3A_57] : memref<4x16xf32, #tpu.memory_space<vmem>> -> memref<1x16xf32, #tpu.memory_space<vmem>>
    %dma_wait3A_59 = tpu.memref_squeeze %dma_wait3A_58 : memref<1x16xf32, #tpu.memory_space<vmem>> -> memref<16xf32, #tpu.memory_space<vmem>>
    %dma_wait3A_60 = arith.constant 0 : i32
    %dma_wait3A_61 = tpu.memref_slice %arg3[%dma_wait3A_60] : memref<80000xf32, #tpu.memory_space<hbm>> -> memref<80000xf32, #tpu.memory_space<hbm>>
    tpu.wait_indirect_dma semaphore(%arg15 : memref<!tpu.dma_semaphore, #tpu.memory_space<semaphore_mem>>) src(%dma_wait3A_61 : memref<80000xf32, #tpu.memory_space<hbm>>) dst(%dma_wait3A_59 : memref<16xf32, #tpu.memory_space<vmem>>)
    %dma_wait3A_62 = arith.constant 3 : i32
    %dma_wait3A_63 = arith.constant 0 : i32
    %dma_wait3A_64 = tpu.memref_slice %arg10[%dma_wait3A_62, %dma_wait3A_63] : memref<4x16xf32, #tpu.memory_space<vmem>> -> memref<1x16xf32, #tpu.memory_space<vmem>>
    %dma_wait3A_65 = tpu.memref_squeeze %dma_wait3A_64 : memref<1x16xf32, #tpu.memory_space<vmem>> -> memref<16xf32, #tpu.memory_space<vmem>>
    %dma_wait3A_66 = arith.constant 0 : i32
    %dma_wait3A_67 = tpu.memref_slice %arg3[%dma_wait3A_66] : memref<80000xf32, #tpu.memory_space<hbm>> -> memref<80000xf32, #tpu.memory_space<hbm>>
    tpu.wait_indirect_dma semaphore(%arg15 : memref<!tpu.dma_semaphore, #tpu.memory_space<semaphore_mem>>) src(%dma_wait3A_67 : memref<80000xf32, #tpu.memory_space<hbm>>) dst(%dma_wait3A_65 : memref<16xf32, #tpu.memory_space<vmem>>)
    %dma_wait3A_68 = arith.constant 0 : i32
    %dma_wait3A_69 = tpu.memref_slice %arg4[%mul3A_40, %dma_wait3A_68] : memref<512x80xf32, #tpu.memory_space<hbm>> -> memref<16x80xf32, #tpu.memory_space<hbm>>
    %dma_wait3A_70 = arith.constant 0 : i32
    %dma_wait3A_71 = tpu.memref_slice %arg4[%mul3A_40, %dma_wait3A_70] : memref<512x80xf32, #tpu.memory_space<hbm>> -> memref<16x80xf32, #tpu.memory_space<hbm>>
    tpu.wait_dma2 semaphore(%arg16 : memref<!tpu.dma_semaphore, #tpu.memory_space<semaphore_mem>>) src(%dma_wait3A_71 : memref<16x80xf32, #tpu.memory_space<hbm>>) dst(%arg11 : memref<16x80xf32, #tpu.memory_space<vmem>>)
    %iota3A = tpu.iota {dimensions = array<i32: 0>} : vector<16xi32>
    %get3A_72 = arith.constant 0 : i32
    %get3A_73 = arith.index_cast %get3A_72 : i32 to index
    %get3A_74 = arith.constant 0 : index
    %get3A_75 = tpu.vector_load %arg10[%get3A_73, %get3A_74] {strides = array<i32>} : memref<4x16xf32, #tpu.memory_space<vmem>>, vector<16xf32>,
    %get3A_76 = arith.constant 1 : i32
    %get3A_77 = arith.index_cast %get3A_76 : i32 to index
    %get3A_78 = arith.constant 0 : index
    %get3A_79 = tpu.vector_load %arg10[%get3A_77, %get3A_78] {strides = array<i32>} : memref<4x16xf32, #tpu.memory_space<vmem>>, vector<16xf32>,
    %get3A_80 = arith.constant 2 : i32
    %get3A_81 = arith.index_cast %get3A_80 : i32 to index
    %get3A_82 = arith.constant 0 : index
    %get3A_83 = tpu.vector_load %arg10[%get3A_81, %get3A_82] {strides = array<i32>} : memref<4x16xf32, #tpu.memory_space<vmem>>, vector<16xf32>,
    %get3A_84 = arith.constant 3 : i32
    %get3A_85 = arith.index_cast %get3A_84 : i32 to index
    %get3A_86 = arith.constant 0 : index
    %get3A_87 = tpu.vector_load %arg10[%get3A_85, %get3A_86] {strides = array<i32>} : memref<4x16xf32, #tpu.memory_space<vmem>>, vector<16xf32>,
    %sub3A = arith.subf %get3A_83, %get3A_75 : vector<16xf32>
    %sub3A_88 = arith.subf %get3A_87, %get3A_79 : vector<16xf32>
    %mul3A_89 = arith.mulf %sub3A, %sub3A_88 : vector<16xf32>
    %broadcast_in_dim3A = arith.constant 0.000000e+00 : f32
    %broadcast_in_dim3A_90 = vector.broadcast %broadcast_in_dim3A : f32 to vector<16xf32>
    %scan3A = arith.constant 0 : i32
    %scan3A_91 = arith.constant 100 : i32
    %scan3A_92 = arith.addi %scan3A, %scan3A_91 : i32
    %scan3A_93 = arith.constant 4 : i32
    %scan3A_94 = scf.for %scan3A_141 = %scan3A to %scan3A_92 step %scan3A_93 iter_args(%scan3A_142 = %broadcast_in_dim3A_90) -> (vector<16xf32>)  : i32 {
      %mul3A_143 = arith.constant 4 : i32
      %mul3A_144 = arith.muli %scan3A_141, %mul3A_143 : i32
      %broadcast_in_dim3A_145 = vector.broadcast %mul3A_144 : i32 to vector<16xi32>
      %gather3A = tpu.vector_load_idx %arg12[%broadcast_in_dim3A_145] : memref<400xf32, #tpu.memory_space<vmem>>[vector<16xi32>], vector<16xf32>,
      %add3A_146 = arith.constant 1 : i32
      %add3A_147 = vector.broadcast %add3A_146 : i32 to vector<16xi32>
      %add3A_148 = arith.addi %broadcast_in_dim3A_145, %add3A_147 : vector<16xi32>
      %gather3A_149 = tpu.vector_load_idx %arg12[%add3A_148] : memref<400xf32, #tpu.memory_space<vmem>>[vector<16xi32>], vector<16xf32>,
      %add3A_150 = arith.constant 2 : i32
      %add3A_151 = vector.broadcast %add3A_150 : i32 to vector<16xi32>
      %add3A_152 = arith.addi %broadcast_in_dim3A_145, %add3A_151 : vector<16xi32>
      %gather3A_153 = tpu.vector_load_idx %arg12[%add3A_152] : memref<400xf32, #tpu.memory_space<vmem>>[vector<16xi32>], vector<16xf32>,
      %add3A_154 = arith.constant 3 : i32
      %add3A_155 = vector.broadcast %add3A_154 : i32 to vector<16xi32>
      %add3A_156 = arith.addi %broadcast_in_dim3A_145, %add3A_155 : vector<16xi32>
      %gather3A_157 = tpu.vector_load_idx %arg12[%add3A_156] : memref<400xf32, #tpu.memory_space<vmem>>[vector<16xi32>], vector<16xf32>,
      %min3A = arith.minimumf %get3A_83, %gather3A_153 : vector<16xf32>
      %max3A = arith.maximumf %get3A_75, %gather3A : vector<16xf32>
      %sub3A_158 = arith.subf %min3A, %max3A : vector<16xf32>
      %max3A_159 = arith.constant 0.000000e+00 : f32
      %max3A_160 = vector.broadcast %max3A_159 : f32 to vector<16xf32>
      %max3A_161 = arith.maximumf %sub3A_158, %max3A_160 : vector<16xf32>
      %min3A_162 = arith.minimumf %get3A_87, %gather3A_157 : vector<16xf32>
      %max3A_163 = arith.maximumf %get3A_79, %gather3A_149 : vector<16xf32>
      %sub3A_164 = arith.subf %min3A_162, %max3A_163 : vector<16xf32>
      %max3A_165 = arith.constant 0.000000e+00 : f32
      %max3A_166 = vector.broadcast %max3A_165 : f32 to vector<16xf32>
      %max3A_167 = arith.maximumf %sub3A_164, %max3A_166 : vector<16xf32>
      %mul3A_168 = arith.mulf %max3A_161, %max3A_167 : vector<16xf32>
      %sub3A_169 = arith.subf %gather3A_153, %gather3A : vector<16xf32>
      %sub3A_170 = arith.subf %gather3A_157, %gather3A_149 : vector<16xf32>
      %mul3A_171 = arith.mulf %sub3A_169, %sub3A_170 : vector<16xf32>
      %add3A_172 = arith.addf %mul3A_89, %mul3A_171 : vector<16xf32>
      %sub3A_173 = arith.subf %add3A_172, %mul3A_168 : vector<16xf32>
      %max3A_174 = arith.constant 9.99999997E-7 : f32
      %max3A_175 = vector.broadcast %max3A_174 : f32 to vector<16xf32>
      %max3A_176 = arith.maximumf %sub3A_173, %max3A_175 : vector<16xf32>
      %div3A_177 = arith.divf %mul3A_168, %max3A_176 : vector<16xf32>
      %broadcast_in_dim3A_178 = vector.broadcast %scan3A_141 : i32 to vector<16xi32>
      %gather3A_179 = tpu.vector_load_idx %arg13[%broadcast_in_dim3A_178] : memref<100xi32, #tpu.memory_space<vmem>>[vector<16xi32>], vector<16xi32>,
      %gather3A_180 = tpu.vector_load_idx %arg11[%iota3A, %gather3A_179] : memref<16x80xf32, #tpu.memory_space<vmem>>[vector<16xi32>, vector<16xi32>], vector<16xf32>,
      %mul3A_181 = arith.mulf %div3A_177, %div3A_177 : vector<16xf32>
      %mul3A_182 = arith.mulf %mul3A_181, %mul3A_181 : vector<16xf32>
      %mul3A_183 = arith.mulf %mul3A_182, %gather3A_180 : vector<16xf32>
      %max3A_184 = arith.maximumf %scan3A_142, %mul3A_183 : vector<16xf32>
      %scan3A_185 = arith.constant 1 : i32
      %scan3A_186 = arith.addi %scan3A_141, %scan3A_185 : i32
      %mul3A_187 = arith.constant 4 : i32
      %mul3A_188 = arith.muli %scan3A_186, %mul3A_187 : i32
      %broadcast_in_dim3A_189 = vector.broadcast %mul3A_188 : i32 to vector<16xi32>
      %gather3A_190 = tpu.vector_load_idx %arg12[%broadcast_in_dim3A_189] : memref<400xf32, #tpu.memory_space<vmem>>[vector<16xi32>], vector<16xf32>,
      %add3A_191 = arith.constant 1 : i32
      %add3A_192 = vector.broadcast %add3A_191 : i32 to vector<16xi32>
      %add3A_193 = arith.addi %broadcast_in_dim3A_189, %add3A_192 : vector<16xi32>
      %gather3A_194 = tpu.vector_load_idx %arg12[%add3A_193] : memref<400xf32, #tpu.memory_space<vmem>>[vector<16xi32>], vector<16xf32>,
      %add3A_195 = arith.constant 2 : i32
      %add3A_196 = vector.broadcast %add3A_195 : i32 to vector<16xi32>
      %add3A_197 = arith.addi %broadcast_in_dim3A_189, %add3A_196 : vector<16xi32>
      %gather3A_198 = tpu.vector_load_idx %arg12[%add3A_197] : memref<400xf32, #tpu.memory_space<vmem>>[vector<16xi32>], vector<16xf32>,
      %add3A_199 = arith.constant 3 : i32
      %add3A_200 = vector.broadcast %add3A_199 : i32 to vector<16xi32>
      %add3A_201 = arith.addi %broadcast_in_dim3A_189, %add3A_200 : vector<16xi32>
      %gather3A_202 = tpu.vector_load_idx %arg12[%add3A_201] : memref<400xf32, #tpu.memory_space<vmem>>[vector<16xi32>], vector<16xf32>,
      %min3A_203 = arith.minimumf %get3A_83, %gather3A_198 : vector<16xf32>
      %max3A_204 = arith.maximumf %get3A_75, %gather3A_190 : vector<16xf32>
      %sub3A_205 = arith.subf %min3A_203, %max3A_204 : vector<16xf32>
      %max3A_206 = arith.constant 0.000000e+00 : f32
      %max3A_207 = vector.broadcast %max3A_206 : f32 to vector<16xf32>
      %max3A_208 = arith.maximumf %sub3A_205, %max3A_207 : vector<16xf32>
      %min3A_209 = arith.minimumf %get3A_87, %gather3A_202 : vector<16xf32>
      %max3A_210 = arith.maximumf %get3A_79, %gather3A_194 : vector<16xf32>
      %sub3A_211 = arith.subf %min3A_209, %max3A_210 : vector<16xf32>
      %max3A_212 = arith.constant 0.000000e+00 : f32
      %max3A_213 = vector.broadcast %max3A_212 : f32 to vector<16xf32>
      %max3A_214 = arith.maximumf %sub3A_211, %max3A_213 : vector<16xf32>
      %mul3A_215 = arith.mulf %max3A_208, %max3A_214 : vector<16xf32>
      %sub3A_216 = arith.subf %gather3A_198, %gather3A_190 : vector<16xf32>
      %sub3A_217 = arith.subf %gather3A_202, %gather3A_194 : vector<16xf32>
      %mul3A_218 = arith.mulf %sub3A_216, %sub3A_217 : vector<16xf32>
      %add3A_219 = arith.addf %mul3A_89, %mul3A_218 : vector<16xf32>
      %sub3A_220 = arith.subf %add3A_219, %mul3A_215 : vector<16xf32>
      %max3A_221 = arith.constant 9.99999997E-7 : f32
      %max3A_222 = vector.broadcast %max3A_221 : f32 to vector<16xf32>
      %max3A_223 = arith.maximumf %sub3A_220, %max3A_222 : vector<16xf32>
      %div3A_224 = arith.divf %mul3A_215, %max3A_223 : vector<16xf32>
      %broadcast_in_dim3A_225 = vector.broadcast %scan3A_186 : i32 to vector<16xi32>
      %gather3A_226 = tpu.vector_load_idx %arg13[%broadcast_in_dim3A_225] : memref<100xi32, #tpu.memory_space<vmem>>[vector<16xi32>], vector<16xi32>,
      %gather3A_227 = tpu.vector_load_idx %arg11[%iota3A, %gather3A_226] : memref<16x80xf32, #tpu.memory_space<vmem>>[vector<16xi32>, vector<16xi32>], vector<16xf32>,
      %mul3A_228 = arith.mulf %div3A_224, %div3A_224 : vector<16xf32>
      %mul3A_229 = arith.mulf %mul3A_228, %mul3A_228 : vector<16xf32>
      %mul3A_230 = arith.mulf %mul3A_229, %gather3A_227 : vector<16xf32>
      %max3A_231 = arith.maximumf %max3A_184, %mul3A_230 : vector<16xf32>
      %scan3A_232 = arith.constant 2 : i32
      %scan3A_233 = arith.addi %scan3A_141, %scan3A_232 : i32
      %mul3A_234 = arith.constant 4 : i32
      %mul3A_235 = arith.muli %scan3A_233, %mul3A_234 : i32
      %broadcast_in_dim3A_236 = vector.broadcast %mul3A_235 : i32 to vector<16xi32>
      %gather3A_237 = tpu.vector_load_idx %arg12[%broadcast_in_dim3A_236] : memref<400xf32, #tpu.memory_space<vmem>>[vector<16xi32>], vector<16xf32>,
      %add3A_238 = arith.constant 1 : i32
      %add3A_239 = vector.broadcast %add3A_238 : i32 to vector<16xi32>
      %add3A_240 = arith.addi %broadcast_in_dim3A_236, %add3A_239 : vector<16xi32>
      %gather3A_241 = tpu.vector_load_idx %arg12[%add3A_240] : memref<400xf32, #tpu.memory_space<vmem>>[vector<16xi32>], vector<16xf32>,
      %add3A_242 = arith.constant 2 : i32
      %add3A_243 = vector.broadcast %add3A_242 : i32 to vector<16xi32>
      %add3A_244 = arith.addi %broadcast_in_dim3A_236, %add3A_243 : vector<16xi32>
      %gather3A_245 = tpu.vector_load_idx %arg12[%add3A_244] : memref<400xf32, #tpu.memory_space<vmem>>[vector<16xi32>], vector<16xf32>,
      %add3A_246 = arith.constant 3 : i32
      %add3A_247 = vector.broadcast %add3A_246 : i32 to vector<16xi32>
      %add3A_248 = arith.addi %broadcast_in_dim3A_236, %add3A_247 : vector<16xi32>
      %gather3A_249 = tpu.vector_load_idx %arg12[%add3A_248] : memref<400xf32, #tpu.memory_space<vmem>>[vector<16xi32>], vector<16xf32>,
      %min3A_250 = arith.minimumf %get3A_83, %gather3A_245 : vector<16xf32>
      %max3A_251 = arith.maximumf %get3A_75, %gather3A_237 : vector<16xf32>
      %sub3A_252 = arith.subf %min3A_250, %max3A_251 : vector<16xf32>
      %max3A_253 = arith.constant 0.000000e+00 : f32
      %max3A_254 = vector.broadcast %max3A_253 : f32 to vector<16xf32>
      %max3A_255 = arith.maximumf %sub3A_252, %max3A_254 : vector<16xf32>
      %min3A_256 = arith.minimumf %get3A_87, %gather3A_249 : vector<16xf32>
      %max3A_257 = arith.maximumf %get3A_79, %gather3A_241 : vector<16xf32>
      %sub3A_258 = arith.subf %min3A_256, %max3A_257 : vector<16xf32>
      %max3A_259 = arith.constant 0.000000e+00 : f32
      %max3A_260 = vector.broadcast %max3A_259 : f32 to vector<16xf32>
      %max3A_261 = arith.maximumf %sub3A_258, %max3A_260 : vector<16xf32>
      %mul3A_262 = arith.mulf %max3A_255, %max3A_261 : vector<16xf32>
      %sub3A_263 = arith.subf %gather3A_245, %gather3A_237 : vector<16xf32>
      %sub3A_264 = arith.subf %gather3A_249, %gather3A_241 : vector<16xf32>
      %mul3A_265 = arith.mulf %sub3A_263, %sub3A_264 : vector<16xf32>
      %add3A_266 = arith.addf %mul3A_89, %mul3A_265 : vector<16xf32>
      %sub3A_267 = arith.subf %add3A_266, %mul3A_262 : vector<16xf32>
      %max3A_268 = arith.constant 9.99999997E-7 : f32
      %max3A_269 = vector.broadcast %max3A_268 : f32 to vector<16xf32>
      %max3A_270 = arith.maximumf %sub3A_267, %max3A_269 : vector<16xf32>
      %div3A_271 = arith.divf %mul3A_262, %max3A_270 : vector<16xf32>
      %broadcast_in_dim3A_272 = vector.broadcast %scan3A_233 : i32 to vector<16xi32>
      %gather3A_273 = tpu.vector_load_idx %arg13[%broadcast_in_dim3A_272] : memref<100xi32, #tpu.memory_space<vmem>>[vector<16xi32>], vector<16xi32>,
      %gather3A_274 = tpu.vector_load_idx %arg11[%iota3A, %gather3A_273] : memref<16x80xf32, #tpu.memory_space<vmem>>[vector<16xi32>, vector<16xi32>], vector<16xf32>,
      %mul3A_275 = arith.mulf %div3A_271, %div3A_271 : vector<16xf32>
      %mul3A_276 = arith.mulf %mul3A_275, %mul3A_275 : vector<16xf32>
      %mul3A_277 = arith.mulf %mul3A_276, %gather3A_274 : vector<16xf32>
      %max3A_278 = arith.maximumf %max3A_231, %mul3A_277 : vector<16xf32>
      %scan3A_279 = arith.constant 3 : i32
      %scan3A_280 = arith.addi %scan3A_141, %scan3A_279 : i32
      %mul3A_281 = arith.constant 4 : i32
      %mul3A_282 = arith.muli %scan3A_280, %mul3A_281 : i32
      %broadcast_in_dim3A_283 = vector.broadcast %mul3A_282 : i32 to vector<16xi32>
      %gather3A_284 = tpu.vector_load_idx %arg12[%broadcast_in_dim3A_283] : memref<400xf32, #tpu.memory_space<vmem>>[vector<16xi32>], vector<16xf32>,
      %add3A_285 = arith.constant 1 : i32
      %add3A_286 = vector.broadcast %add3A_285 : i32 to vector<16xi32>
      %add3A_287 = arith.addi %broadcast_in_dim3A_283, %add3A_286 : vector<16xi32>
      %gather3A_288 = tpu.vector_load_idx %arg12[%add3A_287] : memref<400xf32, #tpu.memory_space<vmem>>[vector<16xi32>], vector<16xf32>,
      %add3A_289 = arith.constant 2 : i32
      %add3A_290 = vector.broadcast %add3A_289 : i32 to vector<16xi32>
      %add3A_291 = arith.addi %broadcast_in_dim3A_283, %add3A_290 : vector<16xi32>
      %gather3A_292 = tpu.vector_load_idx %arg12[%add3A_291] : memref<400xf32, #tpu.memory_space<vmem>>[vector<16xi32>], vector<16xf32>,
      %add3A_293 = arith.constant 3 : i32
      %add3A_294 = vector.broadcast %add3A_293 : i32 to vector<16xi32>
      %add3A_295 = arith.addi %broadcast_in_dim3A_283, %add3A_294 : vector<16xi32>
      %gather3A_296 = tpu.vector_load_idx %arg12[%add3A_295] : memref<400xf32, #tpu.memory_space<vmem>>[vector<16xi32>], vector<16xf32>,
      %min3A_297 = arith.minimumf %get3A_83, %gather3A_292 : vector<16xf32>
      %max3A_298 = arith.maximumf %get3A_75, %gather3A_284 : vector<16xf32>
      %sub3A_299 = arith.subf %min3A_297, %max3A_298 : vector<16xf32>
      %max3A_300 = arith.constant 0.000000e+00 : f32
      %max3A_301 = vector.broadcast %max3A_300 : f32 to vector<16xf32>
      %max3A_302 = arith.maximumf %sub3A_299, %max3A_301 : vector<16xf32>
      %min3A_303 = arith.minimumf %get3A_87, %gather3A_296 : vector<16xf32>
      %max3A_304 = arith.maximumf %get3A_79, %gather3A_288 : vector<16xf32>
      %sub3A_305 = arith.subf %min3A_303, %max3A_304 : vector<16xf32>
      %max3A_306 = arith.constant 0.000000e+00 : f32
      %max3A_307 = vector.broadcast %max3A_306 : f32 to vector<16xf32>
      %max3A_308 = arith.maximumf %sub3A_305, %max3A_307 : vector<16xf32>
      %mul3A_309 = arith.mulf %max3A_302, %max3A_308 : vector<16xf32>
      %sub3A_310 = arith.subf %gather3A_292, %gather3A_284 : vector<16xf32>
      %sub3A_311 = arith.subf %gather3A_296, %gather3A_288 : vector<16xf32>
      %mul3A_312 = arith.mulf %sub3A_310, %sub3A_311 : vector<16xf32>
      %add3A_313 = arith.addf %mul3A_89, %mul3A_312 : vector<16xf32>
      %sub3A_314 = arith.subf %add3A_313, %mul3A_309 : vector<16xf32>
      %max3A_315 = arith.constant 9.99999997E-7 : f32
      %max3A_316 = vector.broadcast %max3A_315 : f32 to vector<16xf32>
      %max3A_317 = arith.maximumf %sub3A_314, %max3A_316 : vector<16xf32>
      %div3A_318 = arith.divf %mul3A_309, %max3A_317 : vector<16xf32>
      %broadcast_in_dim3A_319 = vector.broadcast %scan3A_280 : i32 to vector<16xi32>
      %gather3A_320 = tpu.vector_load_idx %arg13[%broadcast_in_dim3A_319] : memref<100xi32, #tpu.memory_space<vmem>>[vector<16xi32>], vector<16xi32>,
      %gather3A_321 = tpu.vector_load_idx %arg11[%iota3A, %gather3A_320] : memref<16x80xf32, #tpu.memory_space<vmem>>[vector<16xi32>, vector<16xi32>], vector<16xf32>,
      %mul3A_322 = arith.mulf %div3A_318, %div3A_318 : vector<16xf32>
      %mul3A_323 = arith.mulf %mul3A_322, %mul3A_322 : vector<16xf32>
      %mul3A_324 = arith.mulf %mul3A_323, %gather3A_321 : vector<16xf32>
      %max3A_325 = arith.maximumf %max3A_278, %mul3A_324 : vector<16xf32>
      scf.yield %max3A_325 : vector<16xf32>
    }
    %scan3A_95 = arith.constant 100 : i32
    %bitcast3A = vector.bitcast %scan3A_94 : vector<16xf32> to vector<16xi32>
    %convert_element_type3A = arith.sitofp %bitcast3A : vector<16xi32> to vector<16xf32>
    %mul3A_96 = arith.constant 2.000000e-01 : f32
    %mul3A_97 = vector.broadcast %mul3A_96 : f32 to vector<16xf32>
    %mul3A_98 = arith.mulf %convert_element_type3A, %mul3A_97 : vector<16xf32>
    %convert_element_type3A_99 = arith.fptosi %mul3A_98 : vector<16xf32> to vector<16xi32>
    %add3A_100 = arith.constant 851980270 : i32
    %add3A_101 = vector.broadcast %add3A_100 : i32 to vector<16xi32>
    %add3A_102 = arith.addi %convert_element_type3A_99, %add3A_101 : vector<16xi32>
    %bitcast3A_103 = vector.bitcast %add3A_102 : vector<16xi32> to vector<16xf32>
    %mul3A_104 = arith.mulf %bitcast3A_103, %bitcast3A_103 : vector<16xf32>
    %mul3A_105 = arith.mulf %mul3A_104, %mul3A_104 : vector<16xf32>
    %mul3A_106 = arith.constant 8.000000e-01 : f32
    %mul3A_107 = vector.broadcast %mul3A_106 : f32 to vector<16xf32>
    %mul3A_108 = arith.mulf %mul3A_107, %bitcast3A_103 : vector<16xf32>
    %mul3A_109 = arith.constant 2.000000e-01 : f32
    %mul3A_110 = vector.broadcast %mul3A_109 : f32 to vector<16xf32>
    %mul3A_111 = arith.mulf %mul3A_110, %scan3A_94 : vector<16xf32>
    %div3A = arith.divf %mul3A_111, %mul3A_105 : vector<16xf32>
    %add3A_112 = arith.addf %mul3A_108, %div3A : vector<16xf32>
    %mul3A_113 = arith.mulf %add3A_112, %add3A_112 : vector<16xf32>
    %mul3A_114 = arith.mulf %mul3A_113, %mul3A_113 : vector<16xf32>
    %mul3A_115 = arith.constant 8.000000e-01 : f32
    %mul3A_116 = vector.broadcast %mul3A_115 : f32 to vector<16xf32>
    %mul3A_117 = arith.mulf %mul3A_116, %add3A_112 : vector<16xf32>
    %mul3A_118 = arith.constant 2.000000e-01 : f32
    %mul3A_119 = vector.broadcast %mul3A_118 : f32 to vector<16xf32>
    %mul3A_120 = arith.mulf %mul3A_119, %scan3A_94 : vector<16xf32>
    %div3A_121 = arith.divf %mul3A_120, %mul3A_114 : vector<16xf32>
    %add3A_122 = arith.addf %mul3A_117, %div3A_121 : vector<16xf32>
    %mul3A_123 = arith.mulf %add3A_122, %add3A_122 : vector<16xf32>
    %mul3A_124 = arith.mulf %mul3A_123, %mul3A_123 : vector<16xf32>
    %mul3A_125 = arith.constant 8.000000e-01 : f32
    %mul3A_126 = vector.broadcast %mul3A_125 : f32 to vector<16xf32>
    %mul3A_127 = arith.mulf %mul3A_126, %add3A_122 : vector<16xf32>
    %mul3A_128 = arith.constant 2.000000e-01 : f32
    %mul3A_129 = vector.broadcast %mul3A_128 : f32 to vector<16xf32>
    %mul3A_130 = arith.mulf %mul3A_129, %scan3A_94 : vector<16xf32>
    %div3A_131 = arith.divf %mul3A_130, %mul3A_124 : vector<16xf32>
    %add3A_132 = arith.addf %mul3A_127, %div3A_131 : vector<16xf32>
    %gt3A = arith.constant 0.000000e+00 : f32
    %gt3A_133 = vector.broadcast %gt3A : f32 to vector<16xf32>
    %gt3A_134 = arith.cmpf ogt, %scan3A_94, %gt3A_133 : vector<16xf32>
    %jit3A = arith.constant 0.000000e+00 : f32
    %broadcast_in_dim3A_135 = vector.broadcast %jit3A : f32 to vector<16xf32>
    %select_n3A = arith.select %gt3A_134, %add3A_132, %broadcast_in_dim3A_135 : vector<16xi1>, vector<16xf32>
    %swap3A = arith.constant 0 : index
    %swap3A_136 = tpu.vector_load %arg14[%swap3A] {strides = array<i32>} : memref<16xf32, #tpu.memory_space<vmem>>, vector<16xf32>,
    tpu.vector_store %arg14[%swap3A], %select_n3A {strides = array<i32>} : memref<16xf32, #tpu.memory_space<vmem>>, vector<16xf32>,
    %dma_start3A_137 = arith.constant 0 : i32
    %dma_start3A_138 = tpu.memref_slice %arg7[%dma_start3A_137] : memref<20000xf32, #tpu.memory_space<hbm>> -> memref<20000xf32, #tpu.memory_space<hbm>>
    tpu.enqueue_indirect_dma source(%arg14 : memref<16xf32, #tpu.memory_space<vmem>>) target(%dma_start3A_138 : memref<20000xf32, #tpu.memory_space<hbm>>) offsets(%arg9 : memref<16xi32, #tpu.memory_space<vmem>>) semaphore(%arg15 : memref<!tpu.dma_semaphore, #tpu.memory_space<semaphore_mem>>)
    %dma_wait3A_139 = arith.constant 0 : i32
    %dma_wait3A_140 = tpu.memref_slice %arg7[%dma_wait3A_139] : memref<20000xf32, #tpu.memory_space<hbm>> -> memref<20000xf32, #tpu.memory_space<hbm>>
    tpu.wait_indirect_dma semaphore(%arg15 : memref<!tpu.dma_semaphore, #tpu.memory_space<semaphore_mem>>) src(%arg14 : memref<16xf32, #tpu.memory_space<vmem>>) dst(%dma_wait3A_140 : memref<20000xf32, #tpu.memory_space<hbm>>)
    return
  }
}

module attributes {stable_mosaic.version = 14 : i64} {
  func.func @_tc_gather_body(%arg0: i32, %arg1: memref<512x1xi32, #tpu.memory_space<vmem>>, %arg2: memref<2000x80xf32, #tpu.memory_space<vmem>>, %arg3: memref<512x80xf32, #tpu.memory_space<vmem>>, %arg4: memref<512x80xf32, #tpu.memory_space<vmem>>) attributes {dimension_semantics = [#tpu.dimension_semantics<arbitrary>], iteration_bounds = array<i64: 10>, scalar_prefetch = 0 : i64, scratch_operands = 1 : i64, tpu.core_type = #tpu.core_type<tc>, window_params = [{pipeline_mode = #tpu.pipeline_mode<synchronous>, transform_indices = @transform_0, window_bounds = array<i64: 512, 1>}, {transform_indices = @transform_1, window_bounds = array<i64: 2000, 80>}, {pipeline_mode = #tpu.pipeline_mode<synchronous>, transform_indices = @transform_2, window_bounds = array<i64: 512, 80>}]} {
    %iota3A = tpu.iota {dimensions = array<i32: 1>} : vector<512x2000xi32>
    %mul3A = arith.constant 2000 : i32
    %mul3A_0 = arith.muli %arg0, %mul3A : i32
    %add3A = vector.broadcast %mul3A_0 : i32 to vector<512x2000xi32>
    %add3A_1 = arith.addi %iota3A, %add3A : vector<512x2000xi32>
    %get3A = arith.constant 0 : index
    %get3A_2 = arith.constant 0 : index
    %get3A_3 = vector.load %arg1[%get3A, %get3A_2] : memref<512x1xi32, #tpu.memory_space<vmem>>, vector<512x1xi32>
    %eq3A = vector.broadcast %get3A_3 : vector<512x1xi32> to vector<512x2000xi32>
    %eq3A_4 = arith.cmpi eq, %eq3A, %add3A_1 : vector<512x2000xi32>
    %jit3A = arith.constant 1.000000e+00 : f32
    %jit3A_5 = arith.constant 0.000000e+00 : f32
    %broadcast_in_dim3A = vector.broadcast %jit3A : f32 to vector<512x2000xf32>
    %broadcast_in_dim3A_6 = vector.broadcast %jit3A_5 : f32 to vector<512x2000xf32>
    %select_n3A = arith.select %eq3A_4, %broadcast_in_dim3A, %broadcast_in_dim3A_6 : vector<512x2000xi1>, vector<512x2000xf32>
    %convert_element_type3A = arith.truncf %select_n3A : vector<512x2000xf32> to vector<512x2000xbf16>
    %get3A_7 = arith.constant 0 : index
    %get3A_8 = arith.constant 0 : index
    %get3A_9 = vector.load %arg2[%get3A_7, %get3A_8] : memref<2000x80xf32, #tpu.memory_space<vmem>>, vector<2000x80xf32>
    %convert_element_type3A_10 = arith.truncf %get3A_9 : vector<2000x80xf32> to vector<2000x80xbf16>
    %dot_general3A = arith.constant dense<0.000000e+00> : vector<512x80xf32>
    %dot_general3A_11 = tpu.matmul %convert_element_type3A, %convert_element_type3A_10, %dot_general3A {dimension_numbers = #tpu.dot_dimension_numbers<[1], [0], [0], [1], [0, 0, 1, 1], [], []>, transpose_lhs_hint = false} : vector<512x2000xbf16>, vector<2000x80xbf16>, vector<512x80xf32> -> vector<512x80xf32>
    %eq3A_12 = arith.constant 0 : i32
    %eq3A_13 = arith.cmpi eq, %arg0, %eq3A_12 : i32
    %convert_element_type3A_14 = arith.extui %eq3A_13 : i1 to i32
    %cond3A = arith.constant 0 : i32
    %cond3A_15 = arith.cmpi ne, %convert_element_type3A_14, %cond3A : i32
    scf.if %cond3A_15 {
      %swap3A = arith.constant 0 : index
      %swap3A_25 = arith.constant 0 : index
      %swap3A_26 = vector.load %arg4[%swap3A, %swap3A_25] : memref<512x80xf32, #tpu.memory_space<vmem>>, vector<512x80xf32>
      tpu.vector_store %arg4[%swap3A, %swap3A_25], %dot_general3A_11 {strides = array<i32>} : memref<512x80xf32, #tpu.memory_space<vmem>>, vector<512x80xf32>,
    } else {
    }
    %gt3A = arith.constant 0 : i32
    %gt3A_16 = arith.cmpi sgt, %arg0, %gt3A : i32
    %convert_element_type3A_17 = arith.extui %gt3A_16 : i1 to i32
    %cond3A_18 = arith.constant 0 : i32
    %cond3A_19 = arith.cmpi ne, %convert_element_type3A_17, %cond3A_18 : i32
    scf.if %cond3A_19 {
      %get3A_25 = arith.constant 0 : index
      %get3A_26 = arith.constant 0 : index
      %get3A_27 = vector.load %arg4[%get3A_25, %get3A_26] : memref<512x80xf32, #tpu.memory_space<vmem>>, vector<512x80xf32>
      %add3A_28 = arith.addf %get3A_27, %dot_general3A_11 : vector<512x80xf32>
      %swap3A = arith.constant 0 : index
      %swap3A_29 = arith.constant 0 : index
      %swap3A_30 = vector.load %arg4[%swap3A, %swap3A_29] : memref<512x80xf32, #tpu.memory_space<vmem>>, vector<512x80xf32>
      tpu.vector_store %arg4[%swap3A, %swap3A_29], %add3A_28 {strides = array<i32>} : memref<512x80xf32, #tpu.memory_space<vmem>>, vector<512x80xf32>,
    } else {
    }
    %eq3A_20 = arith.constant 9 : i32
    %eq3A_21 = arith.cmpi eq, %arg0, %eq3A_20 : i32
    %convert_element_type3A_22 = arith.extui %eq3A_21 : i1 to i32
    %cond3A_23 = arith.constant 0 : i32
    %cond3A_24 = arith.cmpi ne, %convert_element_type3A_22, %cond3A_23 : i32
    scf.if %cond3A_24 {
      %get3A_25 = arith.constant 0 : index
      %get3A_26 = arith.constant 0 : index
      %get3A_27 = vector.load %arg4[%get3A_25, %get3A_26] : memref<512x80xf32, #tpu.memory_space<vmem>>, vector<512x80xf32>
      %neg3A = arith.constant 0.000000e+00 : f32
      %neg3A_28 = vector.broadcast %neg3A : f32 to vector<512x80xf32>
      %neg3A_29 = arith.subf %neg3A_28, %get3A_27 : vector<512x80xf32>
      %exp3A = math.exp %neg3A_29 : vector<512x80xf32>
      %add3A_30 = arith.constant 1.000000e+00 : f32
      %add3A_31 = vector.broadcast %add3A_30 : f32 to vector<512x80xf32>
      %add3A_32 = arith.addf %add3A_31, %exp3A : vector<512x80xf32>
      %div3A = arith.constant 1.000000e+00 : f32
      %div3A_33 = vector.broadcast %div3A : f32 to vector<512x80xf32>
      %div3A_34 = arith.divf %div3A_33, %add3A_32 : vector<512x80xf32>
      %swap3A = arith.constant 0 : index
      %swap3A_35 = arith.constant 0 : index
      %swap3A_36 = vector.load %arg3[%swap3A, %swap3A_35] : memref<512x80xf32, #tpu.memory_space<vmem>>, vector<512x80xf32>
      tpu.vector_store %arg3[%swap3A, %swap3A_35], %div3A_34 {strides = array<i32>} : memref<512x80xf32, #tpu.memory_space<vmem>>, vector<512x80xf32>,
    } else {
    }
    return
  }
  func.func @transform_0(%arg0: i32) -> (i32, i32) {
    %c0_i32 = arith.constant 0 : i32
    %c0_i32_0 = arith.constant 0 : i32
    %c0_i32_1 = arith.constant 0 : i32
    return %c0_i32, %c0_i32_0 : i32, i32
  }
  func.func @transform_1(%arg0: i32) -> (i32, i32) {
    %c0_i32 = arith.constant 0 : i32
    %c0_i32_0 = arith.constant 0 : i32
    return %arg0, %c0_i32 : i32, i32
  }
  func.func @transform_2(%arg0: i32) -> (i32, i32) {
    %c0_i32 = arith.constant 0 : i32
    %c0_i32_0 = arith.constant 0 : i32
    %c0_i32_1 = arith.constant 0 : i32
    return %c0_i32, %c0_i32_0 : i32, i32
  }
}

</mosaic_0001>

<sc_bundles>
// kernel: _run.4.cloned.1.call-start
scs
__scs_entry_jumppad:
0x0: {  	(pc) =	sbr.rel $0x88, $3  }
0x1: {  	(tag) =	ssettag $0x0;
	lr =	simm.s32 $0x1  }
0x2: {  	[smem:$0x3F9C] =	sst lr;
	_ =	strace $0xD0000000  }
0x3: {  	_ = 	snop  }
0x4: {  	_ = 	snop  }
0x5: {  	_ = 	snop  }
0x6: {  	_ = 	snop  }
0x7: {  	_ = 	snop  }
__scs_overlays_trampoline_lowered:
0x8: {  	[smem:$0x3FAB] =	sst s0  }
0x9: {  	[smem:$0x3FAC] =	sst s1  }
0xa: {  	[smem:$0x3FAD] =	sst s2  }
0xb: {  	[smem:$0x3FAE] =	sst s3  }
0xc: {  	[smem:$0x3FAF] =	sst s4  }
0xd: {  	[smem:$0x3FB0] =	sst s5  }
0xe: {  	[smem:$0x3FB1] =	sst s6  }
0xf: {  	[smem:$0x3FB2] =	sst s7  }
0x10: {  	[smem:$0x3FB3] =	sst s8  }
0x11: {  	[smem:$0x3FB4] =	sst s9;
	s0 =	simm.s32 @!p0 $0x0  }
0x12: {  	s1 =	sld [smem:$0x3F9A];
	s0 =	simm.s32 @p0 $0x1  }
0x13: {  	[smem:$0x3FB5] =	sst s0;
	s0 =	simm.s32 @!p1 $0x0  }
0x14: {  	s2 =	sld [smem:$0x3F99];
	s0 =	simm.s32 @p1 $0x1  }
0x15: {  	[smem:$0x3FB6] =	sst s0;
	s0 =	simm.s32 @!p2 $0x0  }
0x16: {  	s3 =	sld [smem:$0x3FDB];
	s0 =	simm.s32 @p2 $0x1  }
0x17: {  	s4 =	simm.s32 $0x1BF5;
	[smem:$0x3FB8] =	sst s0  }
0x18: {  	s0 =	sld [smem:$0x3F9B];
	_ =	swait.ge [sflag:s4], $0x0  }
0x19: {  	s7 =	sld [smem:$0x3F9C]  }
0x1a: {  	s8 =	sadd.s32 $0xFFFFE003, lr  }
0x1b: {  	s9 =	sadd.s32 $0xFFFFFEF7, lr;
	s5 =	simm.s32 $0xFFFFFFFF;
	p2 =	slt.u32 s8, $0xFFFFF086  }
0x1c: {  	p1 =	slt.u32 s9, $0xF7A;
	s5 =	simm.s32 @!p2 $0x0  }
0x1d: {  	s5 =	simm.s32 @p1 $0x1;
	p0 =	seq.s32 s7, s2  }
0x1e: {  	s7 =	smul.u32 @!p0 $0xF7A, s2;
	p2 =	seq.s32 @!p0 s5, $0x0  }
0x1f: {  	s9 =	smul.u32 $0xF7A, s1;
	s8 =	simm.s32 @!p0 $0x1BF5;
	p2 =	por !p2, p0  }
0x20: {  	[sflag:s8] =	ssyncset.s32 @!p0 $0xFFFFF086;
	s6 =	sadd.s32 @!p0 s3, s7;
	s7 =	simm.s32 @!p0 $0x108  }
0x21: {  	s3 =	sadd.s32 s3, s9;
	s6 =	sadd.s32 @!p0 $0x88, s6;
	s7 =	simm.s32 @p2 $0x1082  }
0x22: {  	[simem:s7], [sflag:s8] =	dma.local @!p0 [hbm:s6], $0xF7A  }
0x23: {  	s9 =	sor.u32 $0xD0000000, s2;
	s6 =	simm.s32 $0x108;
	_ =	swait.ge @!p0 [sflag:s8], $0x0  }
0x24: {  	s3 =	sadd.s32 $0x88, s3;
	s6 =	simm.s32 @!p1 $0x1082;
	[sflag:s4] =	ssyncset.s32 $0xFFFFF086  }
0x25: {  	[simem:s6], [sflag:s4] =	dma.local [hbm:s3], $0xF7A  }
0x26: {  	[smem:$0x3F9C] =	sst s1;
	(tag) =	ssettag s2;
	_ =	strace s9  }
0x27: {  	s1 =	sld [smem:$0x3FAC]  }
0x28: {  	s2 =	sld [smem:$0x3FAD]  }
0x29: {  	s4 =	sld [smem:$0x3FAF]  }
0x2a: {  	p0 =	seq.s32 s5, $0x0;
	s5 =	sld [smem:$0x3FB0]  }
0x2b: {  	s6 =	sld [smem:$0x3FB1]  }
0x2c: {  	s7 =	sld [smem:$0x3FB2]  }
0x2d: {  	s3 =	simm.s32 $0x108;
	s8 =	sld [smem:$0x3FB3]  }
0x2e: {  	s3 =	simm.s32 @!p0 $0x1082;
	s9 =	sld [smem:$0x3FB4]  }
0x2f: {  	lr =	sadd.s32 s0, s3;
	s0 =	sld [smem:$0x3FAB]  }
0x30: {  	s3 =	sld [smem:$0x3FAE]  }
0x31: {  	[smem:$0x3FB7] =	sst s10  }
0x32: {  	s10 =	sld [smem:$0x3FB5];
	_ =	sdelay $0x3  }
0x33: {  	p0 =	seq.s32 s10, $0x1;
	s10 =	sld [smem:$0x3FB7];
	_ =	sdelay $0x3  }
0x34: {  	[smem:$0x3FB7] =	sst s10  }
0x35: {  	s10 =	sld [smem:$0x3FB6];
	_ =	sdelay $0x3  }
0x36: {  	p1 =	seq.s32 s10, $0x1;
	s10 =	sld [smem:$0x3FB7];
	_ =	sdelay $0x3  }
0x37: {  	[smem:$0x3FB7] =	sst s10  }
0x38: {  	s10 =	sld [smem:$0x3FB8]  }
0x39: {  	_ = 	snop;
	(pc) =	sbr.ind lr, $3  }
0x3a: {  	_ = 	snop  }
0x3b: {  	_ = 	snop  }
0x3c: {  	p2 =	seq.s32 s10, $0x1;
	s10 =	sld [smem:$0x3FB7]  }
0x3d: {  	_ =	shalt  }
0x3e: {  	_ =	shalt  }
0x3f: {  	_ =	shalt  }
0x40: {  	_ =	shalt  }
0x41: {  	_ =	shalt  }
0x42: {  	_ =	shalt  }
0x43: {  	_ =	shalt  }
0x44: {  	_ =	shalt  }
0x45: {  	_ =	shalt  }
0x46: {  	_ =	shalt  }
0x47: {  	_ =	shalt  }
0x48: {  	_ =	shalt  }
0x49: {  	_ =	shalt  }
0x4a: {  	_ =	shalt  }
0x4b: {  	_ =	shalt  }
0x4c: {  	_ =	shalt  }
0x4d: {  	_ =	shalt  }
0x4e: {  	_ =	shalt  }
0x4f: {  	_ =	shalt  }
0x50: {  	_ =	shalt  }
0x51: {  	_ =	shalt  }
0x52: {  	_ =	shalt  }
0x53: {  	_ =	shalt  }
0x54: {  	_ =	shalt  }
0x55: {  	_ =	shalt  }
0x56: {  	_ =	shalt  }
0x57: {  	_ =	shalt  }
0x58: {  	_ =	shalt  }
0x59: {  	_ =	shalt  }
0x5a: {  	_ =	shalt  }
0x5b: {  	_ =	shalt  }
0x5c: {  	_ =	shalt  }
0x5d: {  	_ =	shalt  }
0x5e: {  	_ =	shalt  }
0x5f: {  	_ =	shalt  }
0x60: {  	_ =	shalt  }
0x61: {  	_ =	shalt  }
0x62: {  	_ =	shalt  }
0x63: {  	_ =	shalt  }
0x64: {  	_ =	shalt  }
0x65: {  	_ =	shalt  }
0x66: {  	_ =	shalt  }
0x67: {  	_ =	shalt  }
0x68: {  	_ =	shalt  }
0x69: {  	_ =	shalt  }
0x6a: {  	_ =	shalt  }
0x6b: {  	_ =	shalt  }
0x6c: {  	_ =	shalt  }
0x6d: {  	_ =	shalt  }
0x6e: {  	_ =	shalt  }
0x6f: {  	_ =	shalt  }
0x70: {  	_ =	shalt  }
0x71: {  	_ =	shalt  }
0x72: {  	_ =	shalt  }
0x73: {  	_ =	shalt  }
0x74: {  	_ =	shalt  }
0x75: {  	_ =	shalt  }
0x76: {  	_ =	shalt  }
0x77: {  	_ =	shalt  }
0x78: {  	_ =	shalt  }
0x79: {  	_ =	shalt  }
0x7a: {  	_ =	shalt  }
0x7b: {  	_ =	shalt  }
0x7c: {  	_ =	shalt  }
0x7d: {  	_ =	shalt  }
0x7e: {  	_ =	shalt  }
0x7f: {  	_ =	shalt  }
0x80: {  	_ =	shalt  }
0x81: {  	_ =	shalt  }
0x82: {  	_ =	shalt  }
0x83: {  	_ =	shalt  }
0x84: {  	_ =	shalt  }
0x85: {  	_ =	shalt  }
0x86: {  	_ =	shalt  }
0x87: {  	_ =	shalt  }
.Lfunc_end0:
.L_simem_size_0:
called_computation_lowered:
.L_overlay_start_0:
0x88: {  	s2 =	sld [smem:$0x3FD9]  }
0x89: {  	s3 =	sld [smem:$0x3FFE];
	_ =	sdelay $0x1  }
0x8a: {  	s1 =	srdreg.scid  }
0x8b: {  	s0 =	sand.u32 $0x1, s1  }
0x8c: {  	s17 =	sshll.u32 s0, $0xA;
	s2 =	sadd.s32 s3, s2  }
0x8d: {  	s2 =	sadd.s32 s2, s17  }
0x8e: {  	[smem:$0x3FC3] =	sst s2  }
0x8f: {  	_ = 	snop  }
0x90: {  	s2 =	sld [smem:$0x3FC9]  }
0x91: {  	s18 =	sld [smem:$0x3FC8]  }
0x92: {  	s4 =	sld [smem:$0x3FC6]  }
0x93: {  	s5 =	sld [smem:$0x3FC5]  }
0x94: {  	s6 =	sld [smem:$0x3FD0];
	(tm) =	ssettm $0x1  }
0x95: {  	s7 =	sld [smem:$0x3FFB];
	_ =	sdelay $0x3  }
0x96: {  	_ =	strace s7  }
0x97: {  	s7 =	sld [smem:$0x3FFC];
	_ =	sdelay $0x3  }
0x98: {  	_ =	strace s7  }
0x99: {  	s7 =	sld [smem:$0x3FFD];
	_ =	sdelay $0x3  }
0x9a: {  	_ =	strace s7  }
0x9b: {  	_ =	strace $0x8FFFFFFF  }
0x9c: {  	s19 =	sld [smem:$0x3FDB];
	_ =	sdelay $0x1  }
0x9d: {  	s8 =	simm.s32 $_scs_section_size  }
0x9e: {  	s9 =	simm.s32 $_size__tile_overlayer_lowered;
	s10 =	simm.s32 $_tile_overlayer_lowered  }
0x9f: {  	s22 =	simm.s32 $0x1BFF;
	s21 =	sshll.u32 s10, $0x1;
	s7 =	sadd.s32 s8, s19  }
0xa0: {  	s11 =	simm.s32 $0x0;
	s20 =	sshll.u32 s9, $0x1;
	s9 =	sadd.s32 s21, s7  }
0xa1: {  	[timem:s11], [sflag:s22] =	dma.local [hbm:s9], s20  }
0xa2: {  	_ =	swait.ge [sflag:s22], s20  }
0xa3: {  	s8 =	ssub.s32 $0x0, s20;
	[sflag:s22] =	ssyncset.done $0x0  }
0xa4: {  	[sflag:s22] =	ssyncadd.s32 s8;
	_ =	sdelay $0x1  }
0xa5: {  	s23 =	simm.s32 $0x1B8B  }
0xa6: {  	_ =	swait.ge [sflag:s23], $0x1  }
0xa7: {  	[sflag:s23] =	ssyncset.done $0x0  }
0xa8: {  	s25 =	simm.s32 $0x1B8E;
	s24 =	sld [smem:$0x3FFE];
	[sflag:s23] =	ssyncadd.s32 $0xFFFFFFFF  }
0xa9: {  	s26 =	simm.s32 $execute0_lowered;
	[smem:$0x3FD2] =	sst s25  }
0xaa: {  	s9 =	sshll.u32 s26, $0x1;
	_ =	strace $0x80000046;
	[dreg:$0x1] =	wrdreg $0xFFFFFFFF  }
0xab: {  	s28 =	simm.s32 $_size_execute0_lowered;
	s7 =	sadd.s32 s7, s9;
	[dreg:$0x0] =	wrdreg $0x0  }
0xac: {  	s9 =	sshll.u32 s28, $0x1;
	[dreg:$0x2] =	wrdreg s7  }
0xad: {  	[dreg:$0x3] =	wrdreg s9  }
0xae: {  	[dreg:$0x4] =	wrdreg $0xC0  }
0xaf: {  	_ =	task [dreg:s11], $0x5FFFF  }
0xb0: {  	[dreg:$0x1] =	wrdreg $0xFFFFFFFF  }
0xb1: {  	[dreg:$0x0] =	wrdreg $0x60  }
0xb2: {  	[dreg:$0x2] =	wrdreg s2  }
0xb3: {  	[dreg:$0x3] =	wrdreg s18  }
0xb4: {  	[dreg:$0x4] =	wrdreg s24  }
0xb5: {  	[dreg:$0x5] =	wrdreg s4  }
0xb6: {  	[dreg:$0x6] =	wrdreg s5  }
0xb7: {  	[dreg:$0x7] =	wrdreg s6  }
0xb8: {  	[dreg:$0x8] =	wrdreg $0x9  }
0xb9: {  	_ =	task.clear_ibuf [dreg:s11], $0x9FFFF;
	_ =	strace $0x90000046  }
0xba: {  	s29 =	simm.s32 $0x9;
	_ =	strace $0x80000048  }
0xbb: {  	_ =	swait.ge [sflag:s29], $0x1  }
0xbc: {  	[sflag:s29] =	ssyncadd.s32 $0xFFFFFFFF  }
0xbd: {  	_ =	strace $0x90000048  }
0xbe: {  	_ =	sfence  }
0xbf: {  	s30 =	sld [smem:$0x0];
	_ =	sdelay $0x2  }
0xc0: {  	s31 =	sshll.u32 s1, $0xD;
	s1 =	sshrl.u32 s1, $0x2  }
0xc1: {  	s3 =	sand.u32 $0x4000, s31;
	s1 =	sadd.s32 s1, s30  }
0xc2: {  	s0 =	sor.u32 s3, s0;
	s1 =	sshll.u32 s1, $0x11  }
0xc3: {  	s0 =	sor.u32 s1, s0  }
0xc4: {  	s0 =	sadd.s32 $0x8F2B, s0  }
0xc5: {  	[sflag:s0] =	ssyncadd.remote.s32 $0x1  }
0xc6: {  	_ =	sfence.sel $0xFFFF  }
0xc7: {  	[dreg:$0x0] =	wrdreg $0xFFFFFFFF;
	(pc) =	sbr.abs _section_cstart, $3  }
0xc8: {  	[dreg:$0x1] =	wrdreg $0xFFFFFFFF  }
0xc9: {  	_ =	task.clear_ibuf [dreg:s11], $0x2FFFF;
	_ =	strace $0x9FFFFFFF  }
0xca: {  	(tm) =	ssettm $0x7FFFFFFF  }
0xcb: {  	_ =	shalt  }
tec
execute0_lowered:
.L_overlay_start_1:
0x0: {  	(tag) =	ssettag $0x1  }
0x1: {  	s7 =	rddreg [dreg:$0x0]  }
0x2: {  	s0 =	rddreg [dreg:$0x1]  }
0x3: {  	s8 =	rddreg [dreg:$0x2]  }
0x4: {  	s2 =	rddreg [dreg:$0x3];
	s3 =	srdreg.scid  }
0x5: {  	s4 =	rddreg [dreg:$0x4];
	s1 =	stileid.u32  }
0x6: {  	s5 =	rddreg [dreg:$0x5];
	s6 =	simm.s32 $0x0;
	s13 =	simm.s32 $0x30  }
0x7: {  	s14 =	simm.s32 $0x40;
	s15 =	simm.s32 $0x50;
	s16 =	simm.s32 $0x550  }
0x8: {  	s17 =	simm.s32 $0x6E0;
	s18 =	simm.s32 $0x1;
	s19 =	simm.s32 $0x2  }
0x9: {  	s20 =	simm.s32 $0x748;
	s21 =	simm.s32 $0x0;
	s9 =	sand.u32 $0x1, s3  }
0xa: {  	s10 =	sshll.u32 s1, $0x5;
	s3 =	rddreg [dreg:$0x6];
	s11 =	sshll.u32 s9, $0x4  }
0xb: {  	[smem:$0x7FF] =	sst s6;
	s9 =	ssub.s32 $0x2, s9;
	s10 =	sor.u32 s11, s10  }
0xc: {  	_ =	strace $0x80000047;
	s12 =	sshrl.u32 s9, $0x1;
	s11 =	smul.u32 $0xA, s10  }
0xd: {  	s9 =	ssub.s32 s9, s12;
	s10 =	sshrl.u32 s10, $0x3;
	s12 =	simm.s32 $0x20  }
0xe: {  	v0 =	vlaneseq.u32;
	s7 =	sadd.s32 s7, s10;
	s9 =	smax.u32 s9, $0x1;
	s8 =	sadd.s32 s11, s8  }
0xf: {  	vm0 =	vmmov $0xffff;
	v0 =	vmul.u32 $0x50, v0;
	s10 =	simm.s32 $0x3;
	s11 =	simm.s32 $0x10;
	s8 =	sadd.s32 $0x600, s8  }
.LBB2_1:
0x10: {  	[tilespmem:s6], [sflag:$0x3] =	stream.linear.gather [hbm4b:s7+s6], $0x10, $0x38;
	[tilespmem:$0x758] =	vst v63  }
0x11: {  	_ =	swait.ge [sflag:s10], $0x10  }
0x12: {  	[sflag:s10] =	ssyncset.done $0x0  }
0x13: {  	[sflag:s10] =	ssyncadd.s32 $0xFFFFFFF0  }
0x14: {  	v1 =	vld [tilespmem:$0x0];
	_ =	sdelay $0x4  }
0x15: {  	v2 =	vadd.s32 $0x4E20, v1;
	_ =	sdelay $0x1  }
0x16: {  	v3 =	vadd.s32 $0x9C40, v1  }
0x17: {  	[tilespmem:s11], [sflag:$0x1] =	stream.indirect_vreg.gather [hbm4b:s0+s6], $0x1, v1, vm0, $0xb8;
	[tilespmem:$0x758] =	vst v63  }
0x18: {  	v1 =	vadd.s32 $0xEA60, v1  }
0x19: {  	[tilespmem:s12], [sflag:$0x1] =	stream.indirect_vreg.gather [hbm4b:s0+s6], $0x1, v2, vm0, $0xb8;
	[tilespmem:$0x758] =	vst v63  }
0x1a: {  	_ = 	snop  }
0x1b: {  	[tilespmem:s13], [sflag:$0x1] =	stream.indirect_vreg.gather [hbm4b:s0+s6], $0x1, v3, vm0, $0xb8;
	[tilespmem:$0x758] =	vst v63  }
0x1c: {  	_ = 	snop  }
0x1d: {  	[tilespmem:s14], [sflag:$0x1] =	stream.indirect_vreg.gather [hbm4b:s0+s6], $0x1, v1, vm0, $0xb8;
	[tilespmem:$0x758] =	vst v63  }
0x1e: {  	_ = 	snop  }
0x1f: {  	[tilespmem:s15], [sflag:$0x2] =	stream.linear.gather [hbm4b:s8+s6], $0x500, $0x38;
	[tilespmem:$0x758] =	vst v63  }
0x20: {  	_ = 	snop  }
0x21: {  	[tilespmem:s16], [sflag:$0x3] =	stream.linear.gather [hbm4b:s2+s6], $0x190, $0x38;
	[tilespmem:$0x758] =	vst v63  }
0x22: {  	_ =	swait.ge [sflag:s10], $0x190  }
0x23: {  	[sflag:s10] =	ssyncset.done $0x0  }
0x24: {  	[sflag:s10] =	ssyncadd.s32 $0xFFFFFE70  }
0x25: {  	[tilespmem:s17], [sflag:$0x3] =	stream.linear.gather [hbm4b:s4+s6], $0x68, $0x38;
	[tilespmem:$0x758] =	vst v63  }
0x26: {  	_ =	swait.ge [sflag:s10], $0x68  }
0x27: {  	[sflag:s10] =	ssyncset.done $0x0  }
0x28: {  	[sflag:s10] =	ssyncadd.s32 $0xFFFFFF98  }
0x29: {  	_ =	swait.ge [sflag:s18], $0x10  }
0x2a: {  	[sflag:s18] =	ssyncset.done $0x0  }
0x2b: {  	[sflag:s18] =	ssyncadd.s32 $0xFFFFFFF0  }
0x2c: {  	_ =	swait.ge [sflag:s18], $0x10  }
0x2d: {  	[sflag:s18] =	ssyncset.done $0x0  }
0x2e: {  	[sflag:s18] =	ssyncadd.s32 $0xFFFFFFF0  }
0x2f: {  	_ =	swait.ge [sflag:s18], $0x10  }
0x30: {  	[sflag:s18] =	ssyncset.done $0x0  }
0x31: {  	[sflag:s18] =	ssyncadd.s32 $0xFFFFFFF0  }
0x32: {  	_ =	swait.ge [sflag:s18], $0x10  }
0x33: {  	[sflag:s18] =	ssyncset.done $0x0  }
0x34: {  	[sflag:s18] =	ssyncadd.s32 $0xFFFFFFF0  }
0x35: {  	_ =	swait.ge [sflag:s19], $0x500  }
0x36: {  	s22 =	simm.s32 $0x0;
	[sflag:s19] =	ssyncset.done $0x0  }
0x37: {  	s23 =	simm.s32 $0x4;
	v4 =	vmov s22;
	[sflag:s19] =	ssyncadd.s32 $0xFFFFFB00  }
0x38: {  	v6 =	vmov s23;
	v3 =	vld [tilespmem:$0x10]  }
0x39: {  	s26 =	simm.s32 $0x8;
	v7 =	vor.u32 $0x1, v4;
	v1 =	vld [tilespmem:$0x20]  }
0x3a: {  	v8 =	vmov s26;
	v2 =	vld [tilespmem:$0x30]  }
0x3b: {  	v9 =	vor.u32 $0x6, v6;
	v5 =	vld [tilespmem:$0x40]  }
0x3c: {  	s29 =	simm.s32 $0x2;
	v11 =	vor.u32 $0x2, v8;
	v10 =	vld.idx.msk [tilespmem:v4+s16+$0x0], $0xffff  }
0x3d: {  	v20 =	vmov s29;
	v14 =	vor.u32 $0x3, v4;
	v13 =	vld.idx.msk [tilespmem:v6+s16+$0x0], $0xffff  }
0x3e: {  	v15 =	vor.u32 $0x2, v4;
	v20 =	vand.u32 $0xFFFFFFFE, v20;
	v7 =	vld.idx.msk [tilespmem:v7+s16+$0x0], $0xffff  }
0x3f: {  	v19 =	vor.u32 $0x7, v6;
	v20 =	vbroadcast v20, $0x0;
	v16 =	vld.idx.msk [tilespmem:v8+s16+$0x0], $0xffff  }
0x40: {  	v9 =	vld.idx.msk [tilespmem:v9+s16+$0x0], $0xffff  }
0x41: {  	v12 =	vor.u32 $0x1, v8;
	v11 =	vld.idx.msk [tilespmem:v11+s16+$0x0], $0xffff  }
0x42: {  	s30 =	simm.s32 $0x3;
	v24 =	vmov s6;
	s26 =	simm.s32 $0x5;
	v18 =	vor.u32 $0x5, v6;
	v14 =	vld.idx.msk [tilespmem:v14+s16+$0x0], $0xffff  }
0x43: {  	v22 =	vmov s30;
	v24 =	vand.u32 $0xFFFFFFFC, v24;
	s29 =	simm.s32 $0x7;
	v33 =	vmov s26;
	v15 =	vld.idx.msk [tilespmem:v15+s16+$0x0], $0xffff  }
0x44: {  	v56 =	vmov s29;
	v8 =	vor.u32 $0x3, v8;
	v19 =	vld.idx.msk [tilespmem:v19+s16+$0x0], $0xffff;
	v4 =	vsub.f32 v2, v3  }
0x45: {  	v20 =	vld.idx.msk [tilespmem:v20+s17+$0x0], $0xffff;
	v17 =	vsub.f32 v5, v1;
	v21 =	vmax.f32 v3, v10;
	v23 =	vmax.f32 v1, v7  }
0x46: {  	s31 =	simm.s32 $0xC;
	v12 =	vld.idx.msk [tilespmem:v12+s16+$0x0], $0xffff;
	v25 =	vmax.f32 v3, v13;
	v26 =	vmin.f32 v2, v9;
	v9 =	vsub.f32 v9, v13  }
0x47: {  	v18 =	vld.idx.msk [tilespmem:v18+s16+$0x0], $0xffff;
	v13 =	vmov s31;
	v28 =	vmin.f32 v5, v14;
	v29 =	vmax.f32 v3, v16  }
0x48: {  	v30 =	vmin.f32 v2, v11;
	v14 =	vsub.f32 v14, v7;
	v7 =	vbroadcast v24, $0x0  }
0x49: {  	s30 =	simm.s32 $0x4;
	v24 =	vmin.f32 v2, v15;
	v11 =	vsub.f32 v11, v16;
	v16 =	vmin.f32 v5, v19  }
0x4a: {  	v10 =	vsub.f32 v15, v10;
	v57 =	vadd.s32 v0, v20;
	v20 =	vmov s30  }
0x4b: {  	v25 =	vsub.f32 v26, v25;
	v26 =	vmax.f32 v1, v12;
	v27 =	vor.u32 $0x5, v13  }
0x4c: {  	s31 =	simm.s32 $0x1C;
	v29 =	vsub.f32 v30, v29;
	v23 =	vsub.f32 v28, v23;
	v28 =	vmax.f32 v1, v18  }
0x4d: {  	s28 =	simm.s32 $0x1;
	v18 =	vsub.f32 v19, v18;
	v58 =	vmov s31;
	v20 =	vand.u32 $0xFFFFFFFC, v20  }
0x4e: {  	v8 =	vld.idx.msk [tilespmem:v8+s16+$0x0], $0xffff;
	v6 =	vmul.f32 v17, v4;
	v4 =	vimm.f32 $0.0e+00;
	v17 =	vmov s28  }
0x4f: {  	v16 =	vsub.f32 v16, v28;
	v10 =	vmul.f32 v14, v10;
	v40 =	vor.u32 $0x5, v58  }
0x50: {  	v19 =	vmax.f32 v29, $0.0e+00;
	v23 =	vmax.f32 v23, $0.0e+00;
	v17 =	vand.u32 $0xFFFFFFFD, v17  }
0x51: {  	v22 =	vld.idx.msk [tilespmem:v22+s17+$0x0], $0xffff;
	v25 =	vmax.f32 v25, $0.0e+00;
	v9 =	vmul.f32 v18, v9;
	v17 =	vbroadcast v17, $0x0  }
0x52: {  	v18 =	vsub.f32 v24, v21;
	v21 =	vor.u32 $0x7, v13;
	v16 =	vmax.f32 v16, $0.0e+00;
	v29 =	vld.idx.msk [tilespmem:v13+s16+$0x0], $0xffff  }
0x53: {  	v10 =	vadd.f32 v10, v6;
	v15 =	vmin.f32 v5, v8;
	v13 =	vor.u32 $0x6, v13;
	v7 =	vld.idx.msk [tilespmem:v7+s17+$0x0], $0xffff  }
0x54: {  	s23 =	simm.s32 $0x10;
	v16 =	vmul.f32 v16, v25;
	v9 =	vadd.f32 v9, v6;
	v18 =	vmax.f32 v18, $0.0e+00  }
0x55: {  	v12 =	vsub.f32 v8, v12;
	v15 =	vsub.f32 v15, v26;
	v26 =	vmov s23  }
0x56: {  	s25 =	simm.s32 $0x18;
	v8 =	vadd.s32 v0, v22;
	v25 =	vld.idx.msk [tilespmem:v27+s16+$0x0], $0xffff;
	v9 =	vsub.f32 v9, v16;
	v14 =	vor.u32 $0x1, v26  }
0x57: {  	s24 =	simm.s32 $0x14;
	v11 =	vmul.f32 v12, v11;
	v28 =	vor.u32 $0x2, v26;
	v12 =	vld.idx.msk [tilespmem:v17+s17+$0x0], $0xffff;
	v17 =	vmov s25  }
0x58: {  	v27 =	vadd.s32 v0, v7;
	v7 =	vmul.f32 v23, v18;
	v18 =	vld.idx.msk [tilespmem:v21+s16+$0x0], $0xffff;
	v21 =	vmov s24  }
0x59: {  	v15 =	vmax.f32 v15, $0.0e+00;
	v9 =	vmax.f32 v9, $9.999999970e-07;
	v13 =	vld.idx.msk [tilespmem:v13+s16+$0x0], $0xffff;
	v32 =	vor.u32 $0x2, v17  }
0x5a: {  	v55 =	vmul.f32 v15, v19;
	v11 =	vadd.f32 v11, v6;
	v31 =	vld.idx.msk [tilespmem:v26+s16+$0x0], $0xffff;
	v34 =	vor.u32 $0x1, v17  }
0x5b: {  	s28 =	simm.s32 $0x6;
	v24 =	vmax.f32 v3, v29;
	(erf) = vrcp.f32 v9;
	v37 =	vor.u32 $0x3, v17;
	v14 =	vld.idx.msk [tilespmem:v14+s16+$0x0], $0xffff  }
0x5c: {  	v9 =	vmov s28;
	v22 =	vmax.f32 v1, v25;
	v23 =	vor.u32 $0x6, v21;
	v17 =	vld.idx.msk [tilespmem:v17+s16+$0x0], $0xffff  }
0x5d: {  	v26 =	vor.u32 $0x3, v26;
	v11 =	vsub.f32 v11, v55;
	v38 =	vand.u32 $0xFFFFFFFE, v9;
	v35 =	vld.idx.msk [tilespmem:v21+s16+$0x0], $0xffff  }
0x5e: {  	v30 =	vor.u32 $0x7, v21;
	v19 =	vadd.s32 v0, v12;
	v36 =	vmin.f32 v5, v18;
	v12 =	vld.idx.msk [tilespmem:v32+s16+$0x0], $0xffff  }
0x5f: {  	v18 =	vsub.f32 v18, v25;
	v25 =	vmin.f32 v2, v13;
	v13 =	vsub.f32 v13, v29;
	v29 =	vld.idx.msk [tilespmem:v34+s16+$0x0], $0xffff  }
0x60: {  	v10 =	vsub.f32 v10, v7;
	v9 =	vmax.f32 v11, $9.999999970e-07;
	v21 =	vor.u32 $0x5, v21;
	v37 =	vld.idx.msk [tilespmem:v37+s16+$0x0], $0xffff  }
0x61: {  	v20 =	vbroadcast v20, $0x0;
	v60 =	vor.u32 $0x6, v58;
	(erf) = vrcp.f32 v9;
	v15 =	vld.idx.msk [tilespmem:v23+s16+$0x0], $0xffff  }
0x62: {  	v10 =	vmax.f32 v10, $9.999999970e-07;
	v22 =	vsub.f32 v36, v22;
	v24 =	vsub.f32 v25, v24;
	v25 =	vld.idx.msk [tilespmem:v26+s16+$0x0], $0xffff  }
0x63: {  	(erf) = vrcp.f32 v10;
	v23 =	vmax.f32 v3, v31;
	v30 =	vld.idx.msk [tilespmem:v30+s16+$0x0], $0xffff;
	v13 =	vmul.f32 v18, v13  }
0x64: {  	v26 =	vmax.f32 v1, v14;
	v18 =	vld.idx.msk [tilespmem:v28+s16+$0x0], $0xffff;
	v24 =	vmax.f32 v24, $0.0e+00;
	v22 =	vmax.f32 v22, $0.0e+00  }
0x65: {  	v41 =	vmax.f32 v3, v17;
	v59 =	vadd.f32 v13, v6;
	v28 =	vmax.f32 v3, v35;
	v21 =	vld.idx.msk [tilespmem:v21+s16+$0x0], $0xffff  }
0x66: {  	v39 =	vmax.f32 v1, v29;
	v42 =	vmin.f32 v2, v12;
	v44 =	vsub.f32 v12, v17  }
0x67: {  	v12 =	vmin.f32 v5, v37;
	v29 =	vsub.f32 v37, v29;
	v11 =	vmin.f32 v2, v15  }
0x68: {  	v15 =	vsub.f32 v15, v35;
	v41 =	vsub.f32 v42, v41;
	v9 =	vmin.f32 v5, v30  }
0x69: {  	v28 =	vsub.f32 v11, v28;
	v11 =	vmin.f32 v5, v25;
	v43 =	vmin.f32 v2, v18  }
0x6a: {  	v25 =	vsub.f32 v25, v14;
	v14 =	vmax.f32 v1, v21;
	v17 =	vsub.f32 v30, v21  }
0x6b: {  	v30 =	vsub.f32 v18, v31;
	v18 =	vsub.f32 v12, v39;
	v12 =	vmul.f32 v22, v24  }
0x6c: {  	v26 =	vsub.f32 v11, v26;
	v11 =	vld.idx.msk [tilespmem:v58+s16+$0x0], $0xffff;
	v13 =	vmax.f32 v41, $0.0e+00;
	v9 =	vsub.f32 v9, v14  }
0x6d: {  	v21 =	vsub.f32 v43, v23;
	v23 =	vld.idx.msk [tilespmem:v20+s17+$0x0], $0xffff;
	v20 =	vand.u32 $0xFFFFFFFD, v33;
	v22 =	vsub.f32 v59, v12  }
0x6e: {  	v14 =	vmax.f32 v28, $0.0e+00;
	v28 =	vor.u32 $0x7, v58;
	v9 =	vmax.f32 v9, $0.0e+00  }
0x6f: {  	v31 =	vld.idx.msk [tilespmem:v56+s17+$0x0], $0xffff;
	v17 =	vmul.f32 v17, v15;
	v9 =	vmul.f32 v9, v14;
	v14 =	vmax.f32 v22, $9.999999970e-07  }
0x70: {  	v10 =	vld.idx.msk [tilespmem:v27+s15+$0x0], $0xffff;
	v26 =	vmax.f32 v26, $0.0e+00;
	v24 =	vbroadcast v20, $0x0;
	(erf) = vrcp.f32 v14  }
0x71: {  	v20 =	vld.idx.msk [tilespmem:v40+s16+$0x0], $0xffff;
	v61 =	vmax.f32 v21, $0.0e+00;
	v21 =	vbroadcast v38, $0x0;
	v17 =	vadd.f32 v17, v6;
	v22 =	vpop (erf)  }
0x72: {  	v30 =	vmul.f32 v25, v30;
	v15 =	vmax.f32 v3, v11;
	v14 =	vld.idx.msk [tilespmem:v19+s15+$0x0], $0xffff;
	v19 =	vmax.f32 v18, $0.0e+00;
	v62 =	vpop (erf)  }
0x73: {  	v18 =	vld.idx.msk [tilespmem:v57+s15+$0x0], $0xffff;
	v63 =	vsub.f32 v17, v9;
	v17 =	vadd.s32 v0, v23;
	v35 =	vmul.f32 v62, v55  }
0x74: {  	v28 =	vld.idx.msk [tilespmem:v28+s16+$0x0], $0xffff;
	v27 =	vmul.f32 v22, v16;
	v22 =	vmul.f32 v26, v61;
	v16 =	vadd.s32 v0, v31  }
0x75: {  	s22 =	simm.s32 $0x8;
	s23 =	simm.s32 $0x2C;
	v23 =	vld.idx.msk [tilespmem:v60+s16+$0x0], $0xffff;
	v26 =	vmul.f32 v29, v44;
	v25 =	vmax.f32 v63, $9.999999970e-07;
	v29 =	vmul.f32 v35, v35  }
.LBB2_2:
0x76: {  	s24 =	sadd.s32 $0xFFFFFFF4, s23;
	s25 =	sadd.s32 $0xFFFFFFF8, s23;
	s26 =	sadd.s32 $0x1, s22;
	v30 =	vadd.f32 v30, v6;
	v31 =	vmax.f32 v1, v20;
	v27 =	vmul.f32 v27, v27  }
0x77: {  	p0 =	slt.u32 s22, $0x60;
	v32 =	vmov s24;
	v33 =	vmov s25;
	v24 =	vld.idx.msk [tilespmem:v24+s17+$0x0], $0xffff;
	v29 =	vmul.f32 v29, v29;
	v34 =	vpop (erf);
	s24 =	smov.u32 s22;
	s22 =	sadd.s32 $0x4, s22  }
0x78: {  	v35 =	vor.u32 $0x1, v32;
	v36 =	vor.u32 $0x2, v32;
	v37 =	vld.idx.msk [tilespmem:v17+s15+$0x0], $0xffff;
	v34 =	vmul.f32 v34, v7;
	v7 =	vmovc v22  }
0x79: {  	s25 =	sadd.s32 $0xFFFFFFFC, s23;
	v22 =	vor.u32 $0x6, v33;
	v38 =	vor.u32 $0x7, v33;
	v30 =	vsub.f32 v30, v7;
	v39 =	vpop (erf)  }
0x7a: {  	v17 =	vmov s26;
	v40 =	vmov s25;
	v41 =	vmin.f32 v5, v28  }
0x7b: {  	v42 =	vor.u32 $0x3, v32;
	v43 =	vor.u32 $0x1, v40;
	v34 =	vmul.f32 v34, v34;
	v21 =	vld.idx.msk [tilespmem:v21+s17+$0x0], $0xffff  }
0x7c: {  	v44 =	vor.u32 $0x2, v40;
	v45 =	vor.u32 $0x3, v40;
	v18 =	vmul.f32 v29, v18;
	v32 =	vld.idx.msk [tilespmem:v32+s16+$0x0], $0xffff  }
0x7d: {  	v27 =	vmul.f32 v27, v27;
	v20 =	vsub.f32 v28, v20;
	v28 =	vmul.f32 v34, v34;
	v29 =	vld.idx.msk [tilespmem:v33+s16+$0x0], $0xffff  }
0x7e: {  	v31 =	vsub.f32 v41, v31;
	v12 =	vmul.f32 v39, v12;
	v33 =	vor.u32 $0x5, v33;
	v34 =	vld.idx.msk [tilespmem:v35+s16+$0x0], $0xffff  }
0x7f: {  	v35 =	vmin.f32 v2, v23;
	(erf) = vrcp.f32 v25;
	v25 =	vmul.f32 v28, v10;
	v28 =	vld.idx.msk [tilespmem:v8+s15+$0x0], $0xffff;
	v10 =	vmovc v37  }
0x80: {  	s25 =	sadd.s32 $0x2, s24;
	v39 =	vmul.f32 v19, v13;
	v13 =	vadd.f32 v26, v6;
	v24 =	vadd.s32 v0, v24;
	v37 =	vld.idx.msk [tilespmem:v40+s16+$0x0], $0xffff  }
0x81: {  	v14 =	vmul.f32 v27, v14;
	v12 =	vmul.f32 v12, v12;
	v8 =	vmovc v16;
	v19 =	vld.idx.msk [tilespmem:v22+s16+$0x0], $0xffff;
	v22 =	vmov s25  }
0x82: {  	v11 =	vsub.f32 v23, v11;
	v13 =	vsub.f32 v13, v39;
	v16 =	vmax.f32 v3, v32;
	s25 =	sadd.s32 $0x3, s24;
	v26 =	vld.idx.msk [tilespmem:v44+s16+$0x0], $0xffff  }
0x83: {  	v15 =	vsub.f32 v35, v15;
	v4 =	vmax.f32 v4, v25;
	v27 =	vmov s25;
	v23 =	vld.idx.msk [tilespmem:v43+s16+$0x0], $0xffff  }
0x84: {  	v20 =	vmul.f32 v20, v11;
	v40 =	vadd.s32 v0, v21;
	v35 =	vmax.f32 v1, v34;
	v25 =	vld.idx.msk [tilespmem:v42+s16+$0x0], $0xffff  }
0x85: {  	v11 =	vmov s24;
	v4 =	vmax.f32 v4, v14;
	v21 =	vld.idx.msk [tilespmem:v36+s16+$0x0], $0xffff;
	v36 =	vmax.f32 v3, v29  }
0x86: {  	v13 =	vmax.f32 v13, $9.999999970e-07;
	v12 =	vmul.f32 v12, v12;
	v22 =	vand.u32 $0xFFFFFFFE, v22;
	v14 =	vld.idx.msk [tilespmem:v33+s16+$0x0], $0xffff  }
0x87: {  	v15 =	vmax.f32 v15, $0.0e+00;
	v33 =	vld.idx.msk [tilespmem:v38+s16+$0x0], $0xffff;
	v38 =	vmin.f32 v2, v19;
	v19 =	vsub.f32 v19, v29  }
0x88: {  	v12 =	vmul.f32 v12, v28;
	v29 =	vsub.f32 v38, v36;
	v36 =	vld.idx.msk [tilespmem:v45+s16+$0x0], $0xffff;
	v38 =	vmov s23;
	v41 =	vpop (erf)  }
0x89: {  	v4 =	vmax.f32 v4, v18;
	v28 =	vmax.f32 v1, v23;
	v42 =	vor.u32 $0x5, v38  }
0x8a: {  	v31 =	vmax.f32 v31, $0.0e+00;
	v43 =	vmax.f32 v3, v37;
	v18 =	vmin.f32 v5, v25  }
0x8b: {  	v11 =	vand.u32 $0xFFFFFFFC, v11;
	v4 =	vmax.f32 v4, v12;
	v44 =	vmin.f32 v2, v26  }
0x8c: {  	v25 =	vsub.f32 v25, v34;
	v45 =	vmin.f32 v2, v21;
	v12 =	vmax.f32 v1, v14  }
0x8d: {  	v20 =	vadd.f32 v20, v6;
	v43 =	vsub.f32 v44, v43;
	v34 =	vbroadcast v11, $0x0;
	v11 =	vld.idx.msk [tilespmem:v38+s16+$0x0], $0xffff  }
0x8e: {  	v26 =	vsub.f32 v26, v37;
	v18 =	vsub.f32 v18, v35;
	(erf) = vrcp.f32 v13  }
0x8f: {  	v35 =	vmin.f32 v5, v33;
	v14 =	vsub.f32 v33, v14;
	v13 =	vmax.f32 v43, $0.0e+00  }
0x90: {  	v32 =	vsub.f32 v21, v32;
	v33 =	vmax.f32 v18, $0.0e+00;
	v18 =	vmin.f32 v5, v36  }
0x91: {  	v21 =	vsub.f32 v35, v12;
	v12 =	vmul.f32 v31, v15;
	v18 =	vsub.f32 v18, v28  }
0x92: {  	v15 =	vmax.f32 v29, $0.0e+00;
	v19 =	vmul.f32 v14, v19;
	v14 =	vmax.f32 v30, $9.999999970e-07  }
0x93: {  	v16 =	vsub.f32 v45, v16;
	v21 =	vmax.f32 v21, $0.0e+00;
	v20 =	vsub.f32 v20, v12;
	v28 =	vld.idx.msk [tilespmem:v34+s17+$0x0], $0xffff  }
0x94: {  	v31 =	vmul.f32 v21, v15;
	v15 =	vmax.f32 v3, v11;
	v29 =	vld.idx.msk [tilespmem:v27+s17+$0x0], $0xffff;
	(erf) = vrcp.f32 v14  }
0x95: {  	v17 =	vand.u32 $0xFFFFFFFD, v17;
	v21 =	vmax.f32 v20, $9.999999970e-07;
	v34 =	vor.u32 $0x7, v38;
	v14 =	vld.idx.msk [tilespmem:v24+s15+$0x0], $0xffff  }
0x96: {  	v35 =	vor.u32 $0x6, v38;
	v19 =	vadd.f32 v19, v6;
	v20 =	vld.idx.msk [tilespmem:v42+s16+$0x0], $0xffff;
	(erf) = vrcp.f32 v21  }
.Ltmp0:
0x97: {  	v16 =	vmax.f32 v16, $0.0e+00;
	v23 =	vsub.f32 v36, v23;
	v24 =	vbroadcast v17, $0x0;
	v30 =	vpop (erf);
	(pc) =	sbr.rel @p0 .LBB2_2-.Ltmp0, $4  }
0x98: {  	v36 =	vsub.f32 v19, v31;
	v19 =	vmax.f32 v18, $0.0e+00;
	v21 =	vbroadcast v22, $0x0  }
0x99: {  	v27 =	vmul.f32 v41, v9;
	v17 =	vadd.s32 v0, v28;
	v37 =	vmul.f32 v30, v39;
	v18 =	vld.idx.msk [tilespmem:v40+s15+$0x0], $0xffff  }
0x9a: {  	v22 =	vmul.f32 v33, v16;
	v30 =	vmul.f32 v25, v32;
	v16 =	vadd.s32 v0, v29;
	v28 =	vld.idx.msk [tilespmem:v34+s16+$0x0], $0xffff  }
0x9b: {  	s23 =	sadd.s32 $0x10, s23;
	v26 =	vmul.f32 v23, v26;
	v9 =	vmovc v31;
	v25 =	vmax.f32 v36, $9.999999970e-07;
	v29 =	vmul.f32 v37, v37;
	v23 =	vld.idx.msk [tilespmem:v35+s16+$0x0], $0xffff  }
0x9c: {  	_ =	sdelay $0x1  }
0x9d: {  	v3 =	vadd.f32 v30, v6;
	v1 =	vmax.f32 v1, v20  }
0x9e: {  	v13 =	vmul.f32 v19, v13;
	v43 =	vadd.f32 v26, v6;
	v5 =	vmin.f32 v5, v28  }
0x9f: {  	v42 =	vsub.f32 v28, v20;
	v2 =	vmin.f32 v2, v23;
	v11 =	vsub.f32 v23, v11  }
0xa0: {  	v1 =	vsub.f32 v5, v1;
	v2 =	vsub.f32 v2, v15  }
0xa1: {  	(erf) = vrcp.f32 v25;
	v44 =	vsub.f32 v43, v13;
	v11 =	vmul.f32 v42, v11  }
0xa2: {  	v3 =	vsub.f32 v3, v22;
	v1 =	vmax.f32 v1, $0.0e+00;
	v2 =	vmax.f32 v2, $0.0e+00  }
0xa3: {  	v5 =	vmax.f32 v44, $9.999999970e-07;
	v45 =	vadd.f32 v11, v6;
	v1 =	vmul.f32 v1, v2  }
0xa4: {  	(erf) = vrcp.f32 v5;
	v2 =	vmax.f32 v3, $9.999999970e-07  }
0xa5: {  	(erf) = vrcp.f32 v2;
	v3 =	vsub.f32 v45, v1;
	_ =	sdelay $0x1  }
0xa6: {  	v46 =	vpop (erf);
	v2 =	vld.idx.msk [tilespmem:v24+s17+$0x0], $0xffff;
	v3 =	vmax.f32 v3, $9.999999970e-07  }
0xa7: {  	v47 =	vld.idx.msk [tilespmem:v21+s17+$0x0], $0xffff;
	v5 =	vmul.f32 v46, v7;
	(erf) = vrcp.f32 v3;
	_ =	sdelay $0x1  }
0xa8: {  	v48 =	vmul.f32 v27, v27;
	v5 =	vmul.f32 v5, v5;
	v3 =	vpop (erf)  }
0xa9: {  	v49 =	vmul.f32 v29, v29;
	v3 =	vmul.f32 v3, v12  }
0xaa: {  	v8 =	vld.idx.msk [tilespmem:v8+s15+$0x0], $0xffff;
	v7 =	vmul.f32 v48, v48;
	v5 =	vmul.f32 v5, v5;
	v2 =	vadd.s32 v0, v2;
	v50 =	vpop (erf)  }
0xab: {  	v11 =	vmul.f32 v49, v18;
	v6 =	vadd.s32 v0, v47;
	v51 =	vpop (erf);
	v3 =	vmul.f32 v3, v3  }
0xac: {  	v7 =	vmul.f32 v7, v14;
	v5 =	vmul.f32 v5, v10;
	v52 =	vpop (erf)  }
0xad: {  	v10 =	vmul.f32 v52, v22;
	v3 =	vmul.f32 v3, v3  }
0xae: {  	v53 =	vld.idx.msk [tilespmem:v17+s15+$0x0], $0xffff;
	v54 =	vmul.f32 v50, v9;
	v55 =	vmul.f32 v51, v13  }
0xaf: {  	v2 =	vld.idx.msk [tilespmem:v2+s15+$0x0], $0xffff;
	v10 =	vmul.f32 v10, v10;
	v3 =	vmul.f32 v3, v8;
	v56 =	vpop (erf)  }
0xb0: {  	v6 =	vld.idx.msk [tilespmem:v6+s15+$0x0], $0xffff;
	v8 =	vmul.f32 v54, v54;
	v1 =	vmul.f32 v56, v1  }
0xb1: {  	v59 =	vld.idx.msk [tilespmem:v16+s15+$0x0], $0xffff;
	v4 =	vmax.f32 v4, v5;
	v57 =	vmul.f32 v55, v55;
	v58 =	vmul.f32 v10, v10  }
0xb2: {  	v4 =	vmax.f32 v4, v7;
	v60 =	vmul.f32 v8, v8;
	v1 =	vmul.f32 v1, v1  }
0xb3: {  	v4 =	vmax.f32 v4, v11;
	v5 =	vmul.f32 v57, v57;
	v61 =	vmul.f32 v58, v53  }
0xb4: {  	v3 =	vmax.f32 v4, v3;
	v2 =	vmul.f32 v60, v2;
	v1 =	vmul.f32 v1, v1  }
0xb5: {  	v62 =	vmul.f32 v5, v6;
	v3 =	vmax.f32 v3, v61  }
0xb6: {  	v2 =	vmax.f32 v3, v2;
	v1 =	vmul.f32 v1, v59  }
0xb7: {  	v2 =	vmax.f32 v2, v62  }
0xb8: {  	v1 =	vmax.f32 v2, v1  }
0xb9: {  	v2 =	vcvt.s32.f32 v1;
	_ =	sdelay $0x1  }
0xba: {  	v2 =	vmul.f32 $2.000000030e-01, v2;
	_ =	sdelay $0x1  }
0xbb: {  	v2 =	vtrunc.f32 v2  }
0xbc: {  	v2 =	vcvt.f32.s32 v2;
	_ =	sdelay $0x1  }
0xbd: {  	v2 =	vadd.s32 $0x32C82FEE, v2  }
0xbe: {  	v3 =	vmul.f32 v2, v2;
	_ =	sdelay $0x1  }
0xbf: {  	v3 =	vmul.f32 v3, v3;
	_ =	sdelay $0x1  }
0xc0: {  	(erf) = vrcp.f32 v3;
	_ =	sdelay $0x7  }
0xc1: {  	v3 =	vmul.f32 $2.000000030e-01, v1  }
0xc2: {  	v63 =	vpop (erf)  }
0xc3: {  	v2 =	vmul.f32 $8.000000110e-01, v2;
	v4 =	vmul.f32 v63, v3;
	_ =	sdelay $0x1  }
0xc4: {  	v2 =	vadd.f32 v4, v2;
	_ =	sdelay $0x1  }
0xc5: {  	v4 =	vmul.f32 v2, v2;
	_ =	sdelay $0x1  }
0xc6: {  	v4 =	vmul.f32 v4, v4;
	_ =	sdelay $0x1  }
0xc7: {  	(erf) = vrcp.f32 v4;
	_ =	sdelay $0x8  }
0xc8: {  	v4 =	vpop (erf)  }
0xc9: {  	v2 =	vmul.f32 $8.000000110e-01, v2;
	v4 =	vmul.f32 v4, v3;
	_ =	sdelay $0x1  }
0xca: {  	v2 =	vadd.f32 v4, v2;
	_ =	sdelay $0x1  }
0xcb: {  	v4 =	vmul.f32 v2, v2;
	_ =	sdelay $0x1  }
0xcc: {  	v4 =	vmul.f32 v4, v4;
	_ =	sdelay $0x1  }
0xcd: {  	(erf) = vrcp.f32 v4;
	_ =	sdelay $0x8  }
0xce: {  	v4 =	vpop (erf)  }
0xcf: {  	v2 =	vmul.f32 $8.000000110e-01, v2;
	v3 =	vmul.f32 v4, v3;
	_ =	sdelay $0x1  }
0xd0: {  	v2 =	vadd.f32 v3, v2  }
0xd1: {  	s21 =	sadd.s32 $0x1, s21;
	vm1 =	vgt.f32 v1, $0.0e+00  }
0xd2: {  	p0 =	sne.s32 s21, s9;
	v1 =	vnsel vm1, $0x0, v2  }
.Ltmp1:
0xd3: {  	[tilespmem:$0x748] =	vst v1;
	(pc) =	sbr.rel @p0 .LBB2_1-.Ltmp1, $4  }
0xd4: {  	[hbm4b:s5+s11] =	stream.indirect.scatter [tilespmem:s20], [sflag:$0x1], $0x1, s6, s11, $0xb8;
	[tilespmem:$0x758] =	vst v63  }
0xd5: {  	_ =	swait.ge [sflag:s18], $0x10  }
0xd6: {  	[sflag:s18] =	ssyncset.done $0x0  }
0xd7: {  	[sflag:s18] =	ssyncadd.s32 $0xFFFFFFF0  }
0xd8: {  	_ =	sfence.sel $0x180000  }
0xd9: {  	[bflag:$0x0] =	sbarrier.arrive $0xFFFF  }
0xda: {  	p0 =	sne.s32 s1, $0x0;
	_ =	strace $0x90000047  }
0xdb: {  	s0 =	sadd.s32 @!p0 $0x100000, s3;
	[bflag:$0x2] =	sbarrier.arrive $0xFFFF  }
0xdc: {  	[sflag:s0] =	ssyncadd.tile.s32 @!p0 $0x1;
	_ =	shalt  }
.Lfunc_end2:
_tile_overlayer_lowered:
.L_overlay_start_2:
0xdd: {  	(tag) =	ssettag $0x2  }
0xde: {  	s0 =	rddreg [dreg:$0x0];
	s2 =	stileid.u32  }
0xdf: {  	s1 =	rddreg [dreg:$0x1];
	p0 =	sne.s32 s2, $0x0  }
0xe0: {  	s3 =	rddreg [dreg:$0x2];
	[bflag:$0x3] =	sbarrier.arrive $0xFFFF;
	s2 =	simm.s32 @!p0 $0x1C03  }
0xe1: {  	[timem:s3], [sflag:s2] =	dma.local @!p0 [hbm:s0], s1  }
0xe2: {  	s0 =	simm.s32 @!p0 $0x3  }
0xe3: {  	_ =	swait.ge @!p0 [sflag:s0], s1  }
0xe4: {  	s1 =	ssub.s32 @!p0 $0x0, s1;
	[sflag:s0] =	ssyncset.done @!p0 $0x0  }
0xe5: {  	[sflag:s0] =	ssyncadd.s32 @!p0 s1  }
0xe6: {  	[bflag:$0x3] =	sbarrier.arrive $0xFFFF  }
0xe7: {  	_ =	shalt  }

</sc_bundles>
